<compile_context>
chip_gen: v7x
topology: tpu7x:2x2x1
jax: 0.10.2.dev20260603
libtpu: 0.0.44.dev20260713+nightly
codegen_flags: <defaults>
</compile_context>

<pallas_src>
import jax
import jax.numpy as jnp
from jax import lax
from jax.experimental import pallas as pl
from jax.experimental.pallas import tpu as pltpu
from jax.experimental.pallas import tpu_sc as plsc

_N = 32
_A = 16
_XD = 512
_L = 16
_NW = 32


def _head_body(x_ref, pmf_ref, wrow_ref, w1_ref, w2_ref, b_ref, avail_ref,
               act_ref, alp_ref):
    x = x_ref[...]
    pmfs = pmf_ref[...].astype(jnp.float32) * wrow_ref[...]
    logits = jnp.dot(x, w1_ref[...], preferred_element_type=jnp.float32)
    logits = logits + jnp.dot(pmfs, w2_ref[...], preferred_element_type=jnp.float32)
    logits = logits + b_ref[...]
    masked = jnp.where(avail_ref[...] > 0, logits, -1e10)
    m = jnp.max(masked, axis=-1, keepdims=True)
    lse = jnp.log(jnp.sum(jnp.exp(masked - m), axis=-1, keepdims=True))
    act_ref[...] = jnp.argmax(masked, axis=-1, keepdims=True).astype(jnp.int32)
    alp_ref[...] = -lse


def _sc_father(pmf_hbm, w_hbm, father_hbm,
               fbuf0, fbuf1, pbuf, wv, sem0, sem1):
    nn = _N * _N
    row_w = nn * _A
    wid = lax.axis_index("s") * 2 + lax.axis_index("c")
    rows = pmf_hbm.shape[0] // _NW
    base = wid * rows

    pltpu.sync_copy(w_hbm, wv)
    slab_cp = pltpu.make_async_copy(pmf_hbm.at[pl.ds(base, rows)], pbuf, sem0)
    slab_cp.start()

    zeros = jnp.zeros((_L,), jnp.float32)

    def zero_body(i, c):
        fbuf0[pl.ds(i * _L, _L)] = zeros
        fbuf1[pl.ds(i * _L, _L)] = zeros
        return c

    lax.fori_loop(0, row_w // _L, zero_body, 0)
    slab_cp.wait()

    lane_off = lax.iota(jnp.int32, _L) * _A
    w_lo = wv[pl.ds(0, _L)]
    w_hi = wv[pl.ds(_L, _L)]

    def do_row(rr, fbuf):
        def g_body(h, _):
            g0 = h * 2
            pv0 = pbuf[rr, pl.ds(g0 * _L, _L)].astype(jnp.float32)
            plsc.store_scatter(fbuf, [lane_off + g0 * (_L * _A)], pv0 * w_lo)
            g1 = g0 + 1
            pv1 = pbuf[rr, pl.ds(g1 * _L, _L)].astype(jnp.float32)
            plsc.store_scatter(fbuf, [lane_off + g1 * (_L * _A)], pv1 * w_hi)
            return 0

        lax.fori_loop(0, nn // (2 * _L), g_body, 0, unroll=4)

    def start(fbuf, r, sem):
        pltpu.make_async_copy(fbuf, father_hbm.at[r], sem).start()

    def wait(fbuf, r, sem):
        pltpu.make_async_copy(fbuf, father_hbm.at[r], sem).wait()

    do_row(0, fbuf0)
    start(fbuf0, base + 0, sem0)
    do_row(1, fbuf1)
    start(fbuf1, base + 1, sem1)

    def step_body(s, _):
        rr0 = s * 2
        wait(fbuf0, base + rr0, sem0)
        do_row(rr0, fbuf0)
        start(fbuf0, base + rr0, sem0)
        rr1 = rr0 + 1
        wait(fbuf1, base + rr1, sem1)
        do_row(rr1, fbuf1)
        start(fbuf1, base + rr1, sem1)
        return 0

    lax.fori_loop(1, rows // 2, step_body, 0)
    wait(fbuf0, base, sem0)
    wait(fbuf1, base, sem1)


def kernel(x, parents_mask, available_actions, father_action_weights, W, b,
           deterministic=True):
    T = x.shape[0]
    n = _N
    A = _A
    nn = n * n
    pmf2d = parents_mask.reshape(T, nn)
    wvec = jnp.tile(father_action_weights, n)
    W1 = W[:_XD]
    W2 = W[_XD::A]

    row_w = nn * A
    rows = T // _NW
    sc_father = pl.kernel(
        _sc_father,
        out_type=jax.ShapeDtypeStruct((T, row_w), jnp.float32),
        mesh=plsc.VectorSubcoreMesh(core_axis_name="c", subcore_axis_name="s"),
        compiler_params=pltpu.CompilerParams(needs_layout_passes=False),
        scratch_types=[
            pltpu.VMEM((row_w,), jnp.float32),
            pltpu.VMEM((row_w,), jnp.float32),
            pltpu.VMEM((rows, nn), jnp.int32),
            pltpu.VMEM((_N,), jnp.float32),
            pltpu.SemaphoreType.DMA,
            pltpu.SemaphoreType.DMA,
        ],
    )
    father = sc_father(pmf2d, father_action_weights)

    actions, alp = pl.pallas_call(
        _head_body,
        in_specs=[pl.BlockSpec(memory_space=pltpu.VMEM)] * 7,
        out_specs=[pl.BlockSpec(memory_space=pltpu.VMEM)] * 2,
        out_shape=[
            jax.ShapeDtypeStruct((T, 1), jnp.int32),
            jax.ShapeDtypeStruct((T, 1), jnp.float32),
        ],
    )(x, pmf2d, wvec.reshape(1, nn), W1, W2, b.reshape(1, A),
      available_actions)

    return (actions, alp, father)

# --- scband reference (transcript-rebuilt; emitter-appended) ---
"""Pipeline reference for scband-actgraph-layer-798863917679 (READ-ONLY COPY).

The authoritative reference and input builder live on the scoring server;
editing this copy changes nothing except your own understanding.
"""

import jax, jax.numpy as jnp
import numpy as np

N_AGENTS = 32
ACTION_DIM = 16
INPUTS_DIM = 512
T = 1024
IN_DIM = INPUTS_DIM + ACTION_DIM * N_AGENTS * N_AGENTS


def setup_inputs(seed: int = 0) -> dict:
    key = jax.random.key(seed)
    k1, k2, k3, _ = jax.random.split(key, 4)
    x = jax.random.normal(k1, (T, INPUTS_DIM), dtype=jnp.float32)
    # G_s: per-thread DAG given as a parent mask; strict lower triangle guarantees acyclicity
    pm = jax.random.randint(k2, (T, N_AGENTS, N_AGENTS), 0, 2, dtype=jnp.int32)
    tril = jnp.tril(jnp.ones((N_AGENTS, N_AGENTS), dtype=jnp.int32), k=-1)
    parents_mask = pm * tril[None, :, :]
    available_actions = jnp.ones((T, ACTION_DIM), dtype=jnp.float32)
    # learned params: father_action_weights (init ones) and Categorical head linear
    father_action_weights = jnp.ones((N_AGENTS,), dtype=jnp.float32)
    W = jax.random.normal(k3, (IN_DIM, ACTION_DIM), dtype=jnp.float32) * 0.01
    b = jnp.zeros((ACTION_DIM,), dtype=jnp.float32)
    return {"x": x, "parents_mask": parents_mask, "available_actions": available_actions,
            "father_action_weights": father_action_weights, "W": W, "b": b,
            "deterministic": True}


def reference(x, parents_mask, available_actions, father_action_weights, W, b, deterministic=True):
    Tn = x.shape[0]
    n = N_AGENTS
    A = ACTION_DIM
    # In the torch module, actions is initialized to [0]*n_agents and never updated
    # inside the topological loop, so every parent contributes weight[p] * onehot(0).
    # Topological order therefore does not affect the result; the father_action tensor
    # is fully determined by the parent sets (a masked scatter over [j, p*A:(p+1)*A]).
    onehot0 = jnp.zeros((A,), dtype=jnp.float32).at[0].set(1.0)
    pmf = parents_mask.astype(jnp.float32)  # [T, n, n] where pmf[i, j, p]=1 iff p is parent of j
    father = pmf[..., None] * father_action_weights[None, None, :, None] * onehot0[None, None, None, :]
    father = father.reshape(Tn, n, n * A)  # father_action_lst_outer
    x_ = jnp.concatenate([x, father.reshape(Tn, -1)], axis=-1)
    logits = x_ @ W + b  # Categorical head
    masked = jnp.where(available_actions > 0, logits, jnp.full_like(logits, -1e10))
    logp = jax.nn.log_softmax(masked, axis=-1)
    actions = jnp.argmax(masked, axis=-1, keepdims=True)  # deterministic=True -> mode()
    action_log_probs = jnp.take_along_axis(logp, actions, axis=-1)
    return (actions, action_log_probs, father.reshape(-1, n * n * A))

if __name__ == "__main__":
    import jax
    _d = setup_inputs()
    print(jax.jit(kernel)(*tuple(_d.values())))

</pallas_src>

<mosaic_0001>
#map = affine_map<(d0, d1) -> (0, 0)>
#map1 = affine_map<(d0, d1) -> (0)>
module attributes {stable_mosaic.version = 14 : i64} {
  func.func @_sc_father(%arg0: i32, %arg1: i32, %arg2: memref<1024x1024xi32, #tpu.memory_space<hbm>>, %arg3: memref<32xf32, #tpu.memory_space<hbm>>, %arg4: memref<1024x16384xf32, #tpu.memory_space<hbm>>, %arg5: memref<16384xf32, #tpu.memory_space<vmem>>, %arg6: memref<16384xf32, #tpu.memory_space<vmem>>, %arg7: memref<32x1024xi32, #tpu.memory_space<vmem>>, %arg8: memref<32xf32, #tpu.memory_space<vmem>>, %arg9: memref<!tpu.dma_semaphore, #tpu.memory_space<semaphore_mem>>, %arg10: memref<!tpu.dma_semaphore, #tpu.memory_space<semaphore_mem>>) attributes {dimension_semantics = [#tpu.dimension_semantics<core_parallel>, #tpu.dimension_semantics<subcore_parallel>], iteration_bounds = array<i64: 2, 16>, scalar_prefetch = 0 : i64, scratch_operands = 6 : i64, tpu.core_type = #tpu.core_type<sc_vector_subcore>, window_params = [{transform_indices = #map}, {transform_indices = #map1}, {transform_indices = #map}]} {
    %mul3A = arith.constant 2 : i32
    %mul3A_0 = arith.muli %arg1, %mul3A : i32
    %add3A = arith.addi %mul3A_0, %arg0 : i32
    %mul3A_1 = arith.constant 32 : i32
    %mul3A_2 = arith.muli %add3A, %mul3A_1 : i32
    "tpu.region"() ({
      %run_scoped3A = tpu.sem_alloc : memref<!tpu.dma_semaphore, #tpu.memory_space<semaphore_mem>>
      tpu.enqueue_dma source(%arg3 : memref<32xf32, #tpu.memory_space<hbm>>) target(%arg8 : memref<32xf32, #tpu.memory_space<vmem>>) target_semaphore(%run_scoped3A : memref<!tpu.dma_semaphore, #tpu.memory_space<semaphore_mem>>)
      tpu.wait_dma2 semaphore(%run_scoped3A : memref<!tpu.dma_semaphore, #tpu.memory_space<semaphore_mem>>) src(%arg3 : memref<32xf32, #tpu.memory_space<hbm>>) dst(%arg8 : memref<32xf32, #tpu.memory_space<vmem>>)
      tpu.yield
    }) : () -> ()
    %dma_start3A = arith.constant 0 : i32
    %dma_start3A_3 = tpu.memref_slice %arg2[%mul3A_2, %dma_start3A] : memref<1024x1024xi32, #tpu.memory_space<hbm>> -> memref<32x1024xi32, #tpu.memory_space<hbm>>
    %dma_start3A_4 = arith.constant 0 : i32
    %dma_start3A_5 = tpu.memref_slice %arg2[%mul3A_2, %dma_start3A_4] : memref<1024x1024xi32, #tpu.memory_space<hbm>> -> memref<32x1024xi32, #tpu.memory_space<hbm>>
    tpu.enqueue_dma source(%dma_start3A_5 : memref<32x1024xi32, #tpu.memory_space<hbm>>) target(%arg7 : memref<32x1024xi32, #tpu.memory_space<vmem>>) target_semaphore(%arg9 : memref<!tpu.dma_semaphore, #tpu.memory_space<semaphore_mem>>)
    %broadcast_in_dim3A = arith.constant 0.000000e+00 : f32
    %broadcast_in_dim3A_6 = vector.broadcast %broadcast_in_dim3A : f32 to vector<16xf32>
    %scan3A = arith.constant 0 : i32
    %scan3A_7 = arith.constant 0 : i32
    %scan3A_8 = arith.constant 1024 : i32
    %scan3A_9 = arith.addi %scan3A_7, %scan3A_8 : i32
    %scan3A_10 = arith.constant 1 : i32
    scf.for %scan3A_70 = %scan3A_7 to %scan3A_9 step %scan3A_10  : i32 {
      %mul3A_71 = arith.constant 16 : i32
      %mul3A_72 = arith.muli %scan3A_70, %mul3A_71 : i32
      %swap3A = arith.index_cast %mul3A_72 : i32 to index
      %swap3A_73 = tpu.vector_load %arg5[%swap3A] {strides = array<i32>} : memref<16384xf32, #tpu.memory_space<vmem>>, vector<16xf32>,
      tpu.vector_store %arg5[%swap3A], %broadcast_in_dim3A_6 {strides = array<i32>} : memref<16384xf32, #tpu.memory_space<vmem>>, vector<16xf32>,
      %mul3A_74 = arith.constant 16 : i32
      %mul3A_75 = arith.muli %scan3A_70, %mul3A_74 : i32
      %swap3A_76 = arith.index_cast %mul3A_75 : i32 to index
      %swap3A_77 = tpu.vector_load %arg6[%swap3A_76] {strides = array<i32>} : memref<16384xf32, #tpu.memory_space<vmem>>, vector<16xf32>,
      tpu.vector_store %arg6[%swap3A_76], %broadcast_in_dim3A_6 {strides = array<i32>} : memref<16384xf32, #tpu.memory_space<vmem>>, vector<16xf32>,
    }
    %scan3A_11 = arith.constant 1024 : i32
    %dma_wait3A = arith.constant 0 : i32
    %dma_wait3A_12 = tpu.memref_slice %arg2[%mul3A_2, %dma_wait3A] : memref<1024x1024xi32, #tpu.memory_space<hbm>> -> memref<32x1024xi32, #tpu.memory_space<hbm>>
    %dma_wait3A_13 = arith.constant 0 : i32
    %dma_wait3A_14 = tpu.memref_slice %arg2[%mul3A_2, %dma_wait3A_13] : memref<1024x1024xi32, #tpu.memory_space<hbm>> -> memref<32x1024xi32, #tpu.memory_space<hbm>>
    tpu.wait_dma2 semaphore(%arg9 : memref<!tpu.dma_semaphore, #tpu.memory_space<semaphore_mem>>) src(%dma_wait3A_14 : memref<32x1024xi32, #tpu.memory_space<hbm>>) dst(%arg7 : memref<32x1024xi32, #tpu.memory_space<vmem>>)
    %iota3A = tpu.iota {dimensions = array<i32: 0>} : vector<16xi32>
    %mul3A_15 = arith.constant 16 : i32
    %mul3A_16 = vector.broadcast %mul3A_15 : i32 to vector<16xi32>
    %mul3A_17 = arith.muli %iota3A, %mul3A_16 : vector<16xi32>
    %get3A = arith.constant 0 : index
    %get3A_18 = tpu.vector_load %arg8[%get3A] {strides = array<i32>} : memref<32xf32, #tpu.memory_space<vmem>>, vector<16xf32>,
    %get3A_19 = arith.constant 16 : index
    %get3A_20 = tpu.vector_load %arg8[%get3A_19] {strides = array<i32>} : memref<32xf32, #tpu.memory_space<vmem>>, vector<16xf32>,
    %scan3A_21 = arith.constant 0 : i32
    %scan3A_22 = arith.constant 0 : i32
    %scan3A_23 = arith.constant 32 : i32
    %scan3A_24 = arith.addi %scan3A_22, %scan3A_23 : i32
    %scan3A_25 = arith.constant 4 : i32
    %scan3A_26 = scf.for %scan3A_70 = %scan3A_22 to %scan3A_24 step %scan3A_25 iter_args(%scan3A_71 = %scan3A_21) -> (i32)  : i32 {
      %mul3A_72 = arith.constant 2 : i32
      %mul3A_73 = arith.muli %scan3A_70, %mul3A_72 : i32
      %mul3A_74 = arith.constant 16 : i32
      %mul3A_75 = arith.muli %mul3A_73, %mul3A_74 : i32
      %get3A_76 = arith.constant 0 : i32
      %get3A_77 = arith.index_cast %get3A_76 : i32 to index
      %get3A_78 = arith.index_cast %mul3A_75 : i32 to index
      %get3A_79 = tpu.vector_load %arg7[%get3A_77, %get3A_78] {strides = array<i32>} : memref<32x1024xi32, #tpu.memory_space<vmem>>, vector<16xi32>,
      %convert_element_type3A = arith.sitofp %get3A_79 : vector<16xi32> to vector<16xf32>
      %mul3A_80 = arith.constant 256 : i32
      %mul3A_81 = arith.muli %mul3A_73, %mul3A_80 : i32
      %add3A_82 = vector.broadcast %mul3A_81 : i32 to vector<16xi32>
      %add3A_83 = arith.addi %mul3A_17, %add3A_82 : vector<16xi32>
      %mul3A_84 = arith.mulf %convert_element_type3A, %get3A_18 : vector<16xf32>
      tpu.vector_store_idx %arg5[%add3A_83], %mul3A_84 : memref<16384xf32, #tpu.memory_space<vmem>>[vector<16xi32>], vector<16xf32>,
      %add3A_85 = arith.constant 1 : i32
      %add3A_86 = arith.addi %mul3A_73, %add3A_85 : i32
      %mul3A_87 = arith.constant 16 : i32
      %mul3A_88 = arith.muli %add3A_86, %mul3A_87 : i32
      %get3A_89 = arith.constant 0 : i32
      %get3A_90 = arith.index_cast %get3A_89 : i32 to index
      %get3A_91 = arith.index_cast %mul3A_88 : i32 to index
      %get3A_92 = tpu.vector_load %arg7[%get3A_90, %get3A_91] {strides = array<i32>} : memref<32x1024xi32, #tpu.memory_space<vmem>>, vector<16xi32>,
      %convert_element_type3A_93 = arith.sitofp %get3A_92 : vector<16xi32> to vector<16xf32>
      %mul3A_94 = arith.constant 256 : i32
      %mul3A_95 = arith.muli %add3A_86, %mul3A_94 : i32
      %add3A_96 = vector.broadcast %mul3A_95 : i32 to vector<16xi32>
      %add3A_97 = arith.addi %mul3A_17, %add3A_96 : vector<16xi32>
      %mul3A_98 = arith.mulf %convert_element_type3A_93, %get3A_20 : vector<16xf32>
      tpu.vector_store_idx %arg5[%add3A_97], %mul3A_98 : memref<16384xf32, #tpu.memory_space<vmem>>[vector<16xi32>], vector<16xf32>,
      %scan3A_99 = arith.constant 0 : i32
      %scan3A_100 = arith.constant 1 : i32
      %scan3A_101 = arith.addi %scan3A_70, %scan3A_100 : i32
      %mul3A_102 = arith.constant 2 : i32
      %mul3A_103 = arith.muli %scan3A_101, %mul3A_102 : i32
      %mul3A_104 = arith.constant 16 : i32
      %mul3A_105 = arith.muli %mul3A_103, %mul3A_104 : i32
      %get3A_106 = arith.constant 0 : i32
      %get3A_107 = arith.index_cast %get3A_106 : i32 to index
      %get3A_108 = arith.index_cast %mul3A_105 : i32 to index
      %get3A_109 = tpu.vector_load %arg7[%get3A_107, %get3A_108] {strides = array<i32>} : memref<32x1024xi32, #tpu.memory_space<vmem>>, vector<16xi32>,
      %convert_element_type3A_110 = arith.sitofp %get3A_109 : vector<16xi32> to vector<16xf32>
      %mul3A_111 = arith.constant 256 : i32
      %mul3A_112 = arith.muli %mul3A_103, %mul3A_111 : i32
      %add3A_113 = vector.broadcast %mul3A_112 : i32 to vector<16xi32>
      %add3A_114 = arith.addi %mul3A_17, %add3A_113 : vector<16xi32>
      %mul3A_115 = arith.mulf %convert_element_type3A_110, %get3A_18 : vector<16xf32>
      tpu.vector_store_idx %arg5[%add3A_114], %mul3A_115 : memref<16384xf32, #tpu.memory_space<vmem>>[vector<16xi32>], vector<16xf32>,
      %add3A_116 = arith.constant 1 : i32
      %add3A_117 = arith.addi %mul3A_103, %add3A_116 : i32
      %mul3A_118 = arith.constant 16 : i32
      %mul3A_119 = arith.muli %add3A_117, %mul3A_118 : i32
      %get3A_120 = arith.constant 0 : i32
      %get3A_121 = arith.index_cast %get3A_120 : i32 to index
      %get3A_122 = arith.index_cast %mul3A_119 : i32 to index
      %get3A_123 = tpu.vector_load %arg7[%get3A_121, %get3A_122] {strides = array<i32>} : memref<32x1024xi32, #tpu.memory_space<vmem>>, vector<16xi32>,
      %convert_element_type3A_124 = arith.sitofp %get3A_123 : vector<16xi32> to vector<16xf32>
      %mul3A_125 = arith.constant 256 : i32
      %mul3A_126 = arith.muli %add3A_117, %mul3A_125 : i32
      %add3A_127 = vector.broadcast %mul3A_126 : i32 to vector<16xi32>
      %add3A_128 = arith.addi %mul3A_17, %add3A_127 : vector<16xi32>
      %mul3A_129 = arith.mulf %convert_element_type3A_124, %get3A_20 : vector<16xf32>
      tpu.vector_store_idx %arg5[%add3A_128], %mul3A_129 : memref<16384xf32, #tpu.memory_space<vmem>>[vector<16xi32>], vector<16xf32>,
      %scan3A_130 = arith.constant 0 : i32
      %scan3A_131 = arith.constant 2 : i32
      %scan3A_132 = arith.addi %scan3A_70, %scan3A_131 : i32
      %mul3A_133 = arith.constant 2 : i32
      %mul3A_134 = arith.muli %scan3A_132, %mul3A_133 : i32
      %mul3A_135 = arith.constant 16 : i32
      %mul3A_136 = arith.muli %mul3A_134, %mul3A_135 : i32
      %get3A_137 = arith.constant 0 : i32
      %get3A_138 = arith.index_cast %get3A_137 : i32 to index
      %get3A_139 = arith.index_cast %mul3A_136 : i32 to index
      %get3A_140 = tpu.vector_load %arg7[%get3A_138, %get3A_139] {strides = array<i32>} : memref<32x1024xi32, #tpu.memory_space<vmem>>, vector<16xi32>,
      %convert_element_type3A_141 = arith.sitofp %get3A_140 : vector<16xi32> to vector<16xf32>
      %mul3A_142 = arith.constant 256 : i32
      %mul3A_143 = arith.muli %mul3A_134, %mul3A_142 : i32
      %add3A_144 = vector.broadcast %mul3A_143 : i32 to vector<16xi32>
      %add3A_145 = arith.addi %mul3A_17, %add3A_144 : vector<16xi32>
      %mul3A_146 = arith.mulf %convert_element_type3A_141, %get3A_18 : vector<16xf32>
      tpu.vector_store_idx %arg5[%add3A_145], %mul3A_146 : memref<16384xf32, #tpu.memory_space<vmem>>[vector<16xi32>], vector<16xf32>,
      %add3A_147 = arith.constant 1 : i32
      %add3A_148 = arith.addi %mul3A_134, %add3A_147 : i32
      %mul3A_149 = arith.constant 16 : i32
      %mul3A_150 = arith.muli %add3A_148, %mul3A_149 : i32
      %get3A_151 = arith.constant 0 : i32
      %get3A_152 = arith.index_cast %get3A_151 : i32 to index
      %get3A_153 = arith.index_cast %mul3A_150 : i32 to index
      %get3A_154 = tpu.vector_load %arg7[%get3A_152, %get3A_153] {strides = array<i32>} : memref<32x1024xi32, #tpu.memory_space<vmem>>, vector<16xi32>,
      %convert_element_type3A_155 = arith.sitofp %get3A_154 : vector<16xi32> to vector<16xf32>
      %mul3A_156 = arith.constant 256 : i32
      %mul3A_157 = arith.muli %add3A_148, %mul3A_156 : i32
      %add3A_158 = vector.broadcast %mul3A_157 : i32 to vector<16xi32>
      %add3A_159 = arith.addi %mul3A_17, %add3A_158 : vector<16xi32>
      %mul3A_160 = arith.mulf %convert_element_type3A_155, %get3A_20 : vector<16xf32>
      tpu.vector_store_idx %arg5[%add3A_159], %mul3A_160 : memref<16384xf32, #tpu.memory_space<vmem>>[vector<16xi32>], vector<16xf32>,
      %scan3A_161 = arith.constant 0 : i32
      %scan3A_162 = arith.constant 3 : i32
      %scan3A_163 = arith.addi %scan3A_70, %scan3A_162 : i32
      %mul3A_164 = arith.constant 2 : i32
      %mul3A_165 = arith.muli %scan3A_163, %mul3A_164 : i32
      %mul3A_166 = arith.constant 16 : i32
      %mul3A_167 = arith.muli %mul3A_165, %mul3A_166 : i32
      %get3A_168 = arith.constant 0 : i32
      %get3A_169 = arith.index_cast %get3A_168 : i32 to index
      %get3A_170 = arith.index_cast %mul3A_167 : i32 to index
      %get3A_171 = tpu.vector_load %arg7[%get3A_169, %get3A_170] {strides = array<i32>} : memref<32x1024xi32, #tpu.memory_space<vmem>>, vector<16xi32>,
      %convert_element_type3A_172 = arith.sitofp %get3A_171 : vector<16xi32> to vector<16xf32>
      %mul3A_173 = arith.constant 256 : i32
      %mul3A_174 = arith.muli %mul3A_165, %mul3A_173 : i32
      %add3A_175 = vector.broadcast %mul3A_174 : i32 to vector<16xi32>
      %add3A_176 = arith.addi %mul3A_17, %add3A_175 : vector<16xi32>
      %mul3A_177 = arith.mulf %convert_element_type3A_172, %get3A_18 : vector<16xf32>
      tpu.vector_store_idx %arg5[%add3A_176], %mul3A_177 : memref<16384xf32, #tpu.memory_space<vmem>>[vector<16xi32>], vector<16xf32>,
      %add3A_178 = arith.constant 1 : i32
      %add3A_179 = arith.addi %mul3A_165, %add3A_178 : i32
      %mul3A_180 = arith.constant 16 : i32
      %mul3A_181 = arith.muli %add3A_179, %mul3A_180 : i32
      %get3A_182 = arith.constant 0 : i32
      %get3A_183 = arith.index_cast %get3A_182 : i32 to index
      %get3A_184 = arith.index_cast %mul3A_181 : i32 to index
      %get3A_185 = tpu.vector_load %arg7[%get3A_183, %get3A_184] {strides = array<i32>} : memref<32x1024xi32, #tpu.memory_space<vmem>>, vector<16xi32>,
      %convert_element_type3A_186 = arith.sitofp %get3A_185 : vector<16xi32> to vector<16xf32>
      %mul3A_187 = arith.constant 256 : i32
      %mul3A_188 = arith.muli %add3A_179, %mul3A_187 : i32
      %add3A_189 = vector.broadcast %mul3A_188 : i32 to vector<16xi32>
      %add3A_190 = arith.addi %mul3A_17, %add3A_189 : vector<16xi32>
      %mul3A_191 = arith.mulf %convert_element_type3A_186, %get3A_20 : vector<16xf32>
      tpu.vector_store_idx %arg5[%add3A_190], %mul3A_191 : memref<16384xf32, #tpu.memory_space<vmem>>[vector<16xi32>], vector<16xf32>,
      %scan3A_192 = arith.constant 0 : i32
      scf.yield %scan3A_192 : i32
    }
    %scan3A_27 = arith.constant 32 : i32
    %add3A_28 = arith.constant 0 : i32
    %add3A_29 = arith.addi %mul3A_2, %add3A_28 : i32
    %dma_start3A_30 = arith.constant 0 : i32
    %dma_start3A_31 = tpu.memref_slice %arg4[%add3A_29, %dma_start3A_30] : memref<1024x16384xf32, #tpu.memory_space<hbm>> -> memref<1x16384xf32, #tpu.memory_space<hbm>>
    %dma_start3A_32 = tpu.memref_squeeze %dma_start3A_31 : memref<1x16384xf32, #tpu.memory_space<hbm>> -> memref<16384xf32, #tpu.memory_space<hbm>>
    %dma_start3A_33 = arith.constant 0 : i32
    %dma_start3A_34 = tpu.memref_slice %arg4[%add3A_29, %dma_start3A_33] : memref<1024x16384xf32, #tpu.memory_space<hbm>> -> memref<1x16384xf32, #tpu.memory_space<hbm>>
    %dma_start3A_35 = tpu.memref_squeeze %dma_start3A_34 : memref<1x16384xf32, #tpu.memory_space<hbm>> -> memref<16384xf32, #tpu.memory_space<hbm>>
    tpu.enqueue_dma source(%arg5 : memref<16384xf32, #tpu.memory_space<vmem>>) target(%dma_start3A_35 : memref<16384xf32, #tpu.memory_space<hbm>>) target_semaphore(%arg9 : memref<!tpu.dma_semaphore, #tpu.memory_space<semaphore_mem>>)
    %scan3A_36 = arith.constant 0 : i32
    %scan3A_37 = arith.constant 0 : i32
    %scan3A_38 = arith.constant 32 : i32
    %scan3A_39 = arith.addi %scan3A_37, %scan3A_38 : i32
    %scan3A_40 = arith.constant 4 : i32
    %scan3A_41 = scf.for %scan3A_70 = %scan3A_37 to %scan3A_39 step %scan3A_40 iter_args(%scan3A_71 = %scan3A_36) -> (i32)  : i32 {
      %mul3A_72 = arith.constant 2 : i32
      %mul3A_73 = arith.muli %scan3A_70, %mul3A_72 : i32
      %mul3A_74 = arith.constant 16 : i32
      %mul3A_75 = arith.muli %mul3A_73, %mul3A_74 : i32
      %get3A_76 = arith.constant 1 : i32
      %get3A_77 = arith.index_cast %get3A_76 : i32 to index
      %get3A_78 = arith.index_cast %mul3A_75 : i32 to index
      %get3A_79 = tpu.vector_load %arg7[%get3A_77, %get3A_78] {strides = array<i32>} : memref<32x1024xi32, #tpu.memory_space<vmem>>, vector<16xi32>,
      %convert_element_type3A = arith.sitofp %get3A_79 : vector<16xi32> to vector<16xf32>
      %mul3A_80 = arith.constant 256 : i32
      %mul3A_81 = arith.muli %mul3A_73, %mul3A_80 : i32
      %add3A_82 = vector.broadcast %mul3A_81 : i32 to vector<16xi32>
      %add3A_83 = arith.addi %mul3A_17, %add3A_82 : vector<16xi32>
      %mul3A_84 = arith.mulf %convert_element_type3A, %get3A_18 : vector<16xf32>
      tpu.vector_store_idx %arg6[%add3A_83], %mul3A_84 : memref<16384xf32, #tpu.memory_space<vmem>>[vector<16xi32>], vector<16xf32>,
      %add3A_85 = arith.constant 1 : i32
      %add3A_86 = arith.addi %mul3A_73, %add3A_85 : i32
      %mul3A_87 = arith.constant 16 : i32
      %mul3A_88 = arith.muli %add3A_86, %mul3A_87 : i32
      %get3A_89 = arith.constant 1 : i32
      %get3A_90 = arith.index_cast %get3A_89 : i32 to index
      %get3A_91 = arith.index_cast %mul3A_88 : i32 to index
      %get3A_92 = tpu.vector_load %arg7[%get3A_90, %get3A_91] {strides = array<i32>} : memref<32x1024xi32, #tpu.memory_space<vmem>>, vector<16xi32>,
      %convert_element_type3A_93 = arith.sitofp %get3A_92 : vector<16xi32> to vector<16xf32>
      %mul3A_94 = arith.constant 256 : i32
      %mul3A_95 = arith.muli %add3A_86, %mul3A_94 : i32
      %add3A_96 = vector.broadcast %mul3A_95 : i32 to vector<16xi32>
      %add3A_97 = arith.addi %mul3A_17, %add3A_96 : vector<16xi32>
      %mul3A_98 = arith.mulf %convert_element_type3A_93, %get3A_20 : vector<16xf32>
      tpu.vector_store_idx %arg6[%add3A_97], %mul3A_98 : memref<16384xf32, #tpu.memory_space<vmem>>[vector<16xi32>], vector<16xf32>,
      %scan3A_99 = arith.constant 0 : i32
      %scan3A_100 = arith.constant 1 : i32
      %scan3A_101 = arith.addi %scan3A_70, %scan3A_100 : i32
      %mul3A_102 = arith.constant 2 : i32
      %mul3A_103 = arith.muli %scan3A_101, %mul3A_102 : i32
      %mul3A_104 = arith.constant 16 : i32
      %mul3A_105 = arith.muli %mul3A_103, %mul3A_104 : i32
      %get3A_106 = arith.constant 1 : i32
      %get3A_107 = arith.index_cast %get3A_106 : i32 to index
      %get3A_108 = arith.index_cast %mul3A_105 : i32 to index
      %get3A_109 = tpu.vector_load %arg7[%get3A_107, %get3A_108] {strides = array<i32>} : memref<32x1024xi32, #tpu.memory_space<vmem>>, vector<16xi32>,
      %convert_element_type3A_110 = arith.sitofp %get3A_109 : vector<16xi32> to vector<16xf32>
      %mul3A_111 = arith.constant 256 : i32
      %mul3A_112 = arith.muli %mul3A_103, %mul3A_111 : i32
      %add3A_113 = vector.broadcast %mul3A_112 : i32 to vector<16xi32>
      %add3A_114 = arith.addi %mul3A_17, %add3A_113 : vector<16xi32>
      %mul3A_115 = arith.mulf %convert_element_type3A_110, %get3A_18 : vector<16xf32>
      tpu.vector_store_idx %arg6[%add3A_114], %mul3A_115 : memref<16384xf32, #tpu.memory_space<vmem>>[vector<16xi32>], vector<16xf32>,
      %add3A_116 = arith.constant 1 : i32
      %add3A_117 = arith.addi %mul3A_103, %add3A_116 : i32
      %mul3A_118 = arith.constant 16 : i32
      %mul3A_119 = arith.muli %add3A_117, %mul3A_118 : i32
      %get3A_120 = arith.constant 1 : i32
      %get3A_121 = arith.index_cast %get3A_120 : i32 to index
      %get3A_122 = arith.index_cast %mul3A_119 : i32 to index
      %get3A_123 = tpu.vector_load %arg7[%get3A_121, %get3A_122] {strides = array<i32>} : memref<32x1024xi32, #tpu.memory_space<vmem>>, vector<16xi32>,
      %convert_element_type3A_124 = arith.sitofp %get3A_123 : vector<16xi32> to vector<16xf32>
      %mul3A_125 = arith.constant 256 : i32
      %mul3A_126 = arith.muli %add3A_117, %mul3A_125 : i32
      %add3A_127 = vector.broadcast %mul3A_126 : i32 to vector<16xi32>
      %add3A_128 = arith.addi %mul3A_17, %add3A_127 : vector<16xi32>
      %mul3A_129 = arith.mulf %convert_element_type3A_124, %get3A_20 : vector<16xf32>
      tpu.vector_store_idx %arg6[%add3A_128], %mul3A_129 : memref<16384xf32, #tpu.memory_space<vmem>>[vector<16xi32>], vector<16xf32>,
      %scan3A_130 = arith.constant 0 : i32
      %scan3A_131 = arith.constant 2 : i32
      %scan3A_132 = arith.addi %scan3A_70, %scan3A_131 : i32
      %mul3A_133 = arith.constant 2 : i32
      %mul3A_134 = arith.muli %scan3A_132, %mul3A_133 : i32
      %mul3A_135 = arith.constant 16 : i32
      %mul3A_136 = arith.muli %mul3A_134, %mul3A_135 : i32
      %get3A_137 = arith.constant 1 : i32
      %get3A_138 = arith.index_cast %get3A_137 : i32 to index
      %get3A_139 = arith.index_cast %mul3A_136 : i32 to index
      %get3A_140 = tpu.vector_load %arg7[%get3A_138, %get3A_139] {strides = array<i32>} : memref<32x1024xi32, #tpu.memory_space<vmem>>, vector<16xi32>,
      %convert_element_type3A_141 = arith.sitofp %get3A_140 : vector<16xi32> to vector<16xf32>
      %mul3A_142 = arith.constant 256 : i32
      %mul3A_143 = arith.muli %mul3A_134, %mul3A_142 : i32
      %add3A_144 = vector.broadcast %mul3A_143 : i32 to vector<16xi32>
      %add3A_145 = arith.addi %mul3A_17, %add3A_144 : vector<16xi32>
      %mul3A_146 = arith.mulf %convert_element_type3A_141, %get3A_18 : vector<16xf32>
      tpu.vector_store_idx %arg6[%add3A_145], %mul3A_146 : memref<16384xf32, #tpu.memory_space<vmem>>[vector<16xi32>], vector<16xf32>,
      %add3A_147 = arith.constant 1 : i32
      %add3A_148 = arith.addi %mul3A_134, %add3A_147 : i32
      %mul3A_149 = arith.constant 16 : i32
      %mul3A_150 = arith.muli %add3A_148, %mul3A_149 : i32
      %get3A_151 = arith.constant 1 : i32
      %get3A_152 = arith.index_cast %get3A_151 : i32 to index
      %get3A_153 = arith.index_cast %mul3A_150 : i32 to index
      %get3A_154 = tpu.vector_load %arg7[%get3A_152, %get3A_153] {strides = array<i32>} : memref<32x1024xi32, #tpu.memory_space<vmem>>, vector<16xi32>,
      %convert_element_type3A_155 = arith.sitofp %get3A_154 : vector<16xi32> to vector<16xf32>
      %mul3A_156 = arith.constant 256 : i32
      %mul3A_157 = arith.muli %add3A_148, %mul3A_156 : i32
      %add3A_158 = vector.broadcast %mul3A_157 : i32 to vector<16xi32>
      %add3A_159 = arith.addi %mul3A_17, %add3A_158 : vector<16xi32>
      %mul3A_160 = arith.mulf %convert_element_type3A_155, %get3A_20 : vector<16xf32>
      tpu.vector_store_idx %arg6[%add3A_159], %mul3A_160 : memref<16384xf32, #tpu.memory_space<vmem>>[vector<16xi32>], vector<16xf32>,
      %scan3A_161 = arith.constant 0 : i32
      %scan3A_162 = arith.constant 3 : i32
      %scan3A_163 = arith.addi %scan3A_70, %scan3A_162 : i32
      %mul3A_164 = arith.constant 2 : i32
      %mul3A_165 = arith.muli %scan3A_163, %mul3A_164 : i32
      %mul3A_166 = arith.constant 16 : i32
      %mul3A_167 = arith.muli %mul3A_165, %mul3A_166 : i32
      %get3A_168 = arith.constant 1 : i32
      %get3A_169 = arith.index_cast %get3A_168 : i32 to index
      %get3A_170 = arith.index_cast %mul3A_167 : i32 to index
      %get3A_171 = tpu.vector_load %arg7[%get3A_169, %get3A_170] {strides = array<i32>} : memref<32x1024xi32, #tpu.memory_space<vmem>>, vector<16xi32>,
      %convert_element_type3A_172 = arith.sitofp %get3A_171 : vector<16xi32> to vector<16xf32>
      %mul3A_173 = arith.constant 256 : i32
      %mul3A_174 = arith.muli %mul3A_165, %mul3A_173 : i32
      %add3A_175 = vector.broadcast %mul3A_174 : i32 to vector<16xi32>
      %add3A_176 = arith.addi %mul3A_17, %add3A_175 : vector<16xi32>
      %mul3A_177 = arith.mulf %convert_element_type3A_172, %get3A_18 : vector<16xf32>
      tpu.vector_store_idx %arg6[%add3A_176], %mul3A_177 : memref<16384xf32, #tpu.memory_space<vmem>>[vector<16xi32>], vector<16xf32>,
      %add3A_178 = arith.constant 1 : i32
      %add3A_179 = arith.addi %mul3A_165, %add3A_178 : i32
      %mul3A_180 = arith.constant 16 : i32
      %mul3A_181 = arith.muli %add3A_179, %mul3A_180 : i32
      %get3A_182 = arith.constant 1 : i32
      %get3A_183 = arith.index_cast %get3A_182 : i32 to index
      %get3A_184 = arith.index_cast %mul3A_181 : i32 to index
      %get3A_185 = tpu.vector_load %arg7[%get3A_183, %get3A_184] {strides = array<i32>} : memref<32x1024xi32, #tpu.memory_space<vmem>>, vector<16xi32>,
      %convert_element_type3A_186 = arith.sitofp %get3A_185 : vector<16xi32> to vector<16xf32>
      %mul3A_187 = arith.constant 256 : i32
      %mul3A_188 = arith.muli %add3A_179, %mul3A_187 : i32
      %add3A_189 = vector.broadcast %mul3A_188 : i32 to vector<16xi32>
      %add3A_190 = arith.addi %mul3A_17, %add3A_189 : vector<16xi32>
      %mul3A_191 = arith.mulf %convert_element_type3A_186, %get3A_20 : vector<16xf32>
      tpu.vector_store_idx %arg6[%add3A_190], %mul3A_191 : memref<16384xf32, #tpu.memory_space<vmem>>[vector<16xi32>], vector<16xf32>,
      %scan3A_192 = arith.constant 0 : i32
      scf.yield %scan3A_192 : i32
    }
    %scan3A_42 = arith.constant 32 : i32
    %add3A_43 = arith.constant 1 : i32
    %add3A_44 = arith.addi %mul3A_2, %add3A_43 : i32
    %dma_start3A_45 = arith.constant 0 : i32
    %dma_start3A_46 = tpu.memref_slice %arg4[%add3A_44, %dma_start3A_45] : memref<1024x16384xf32, #tpu.memory_space<hbm>> -> memref<1x16384xf32, #tpu.memory_space<hbm>>
    %dma_start3A_47 = tpu.memref_squeeze %dma_start3A_46 : memref<1x16384xf32, #tpu.memory_space<hbm>> -> memref<16384xf32, #tpu.memory_space<hbm>>
    %dma_start3A_48 = arith.constant 0 : i32
    %dma_start3A_49 = tpu.memref_slice %arg4[%add3A_44, %dma_start3A_48] : memref<1024x16384xf32, #tpu.memory_space<hbm>> -> memref<1x16384xf32, #tpu.memory_space<hbm>>
    %dma_start3A_50 = tpu.memref_squeeze %dma_start3A_49 : memref<1x16384xf32, #tpu.memory_space<hbm>> -> memref<16384xf32, #tpu.memory_space<hbm>>
    tpu.enqueue_dma source(%arg6 : memref<16384xf32, #tpu.memory_space<vmem>>) target(%dma_start3A_50 : memref<16384xf32, #tpu.memory_space<hbm>>) target_semaphore(%arg10 : memref<!tpu.dma_semaphore, #tpu.memory_space<semaphore_mem>>)
    %scan3A_51 = arith.constant 0 : i32
    %scan3A_52 = arith.constant 1 : i32
    %scan3A_53 = arith.constant 15 : i32
    %scan3A_54 = arith.addi %scan3A_52, %scan3A_53 : i32
    %scan3A_55 = arith.constant 1 : i32
    %scan3A_56 = scf.for %scan3A_70 = %scan3A_52 to %scan3A_54 step %scan3A_55 iter_args(%scan3A_71 = %scan3A_51) -> (i32)  : i32 {
      %mul3A_72 = arith.constant 2 : i32
      %mul3A_73 = arith.muli %scan3A_70, %mul3A_72 : i32
      %add3A_74 = arith.addi %mul3A_2, %mul3A_73 : i32
      %dma_wait3A_75 = arith.constant 0 : i32
      %dma_wait3A_76 = tpu.memref_slice %arg4[%add3A_74, %dma_wait3A_75] : memref<1024x16384xf32, #tpu.memory_space<hbm>> -> memref<1x16384xf32, #tpu.memory_space<hbm>>
      %dma_wait3A_77 = tpu.memref_squeeze %dma_wait3A_76 : memref<1x16384xf32, #tpu.memory_space<hbm>> -> memref<16384xf32, #tpu.memory_space<hbm>>
      %dma_wait3A_78 = arith.constant 0 : i32
      %dma_wait3A_79 = tpu.memref_slice %arg4[%add3A_74, %dma_wait3A_78] : memref<1024x16384xf32, #tpu.memory_space<hbm>> -> memref<1x16384xf32, #tpu.memory_space<hbm>>
      %dma_wait3A_80 = tpu.memref_squeeze %dma_wait3A_79 : memref<1x16384xf32, #tpu.memory_space<hbm>> -> memref<16384xf32, #tpu.memory_space<hbm>>
      tpu.wait_dma2 semaphore(%arg9 : memref<!tpu.dma_semaphore, #tpu.memory_space<semaphore_mem>>) src(%arg5 : memref<16384xf32, #tpu.memory_space<vmem>>) dst(%dma_wait3A_80 : memref<16384xf32, #tpu.memory_space<hbm>>)
      %scan3A_81 = arith.constant 0 : i32
      %scan3A_82 = arith.constant 0 : i32
      %scan3A_83 = arith.constant 32 : i32
      %scan3A_84 = arith.addi %scan3A_82, %scan3A_83 : i32
      %scan3A_85 = arith.constant 4 : i32
      %scan3A_86 = scf.for %scan3A_119 = %scan3A_82 to %scan3A_84 step %scan3A_85 iter_args(%scan3A_120 = %scan3A_81) -> (i32)  : i32 {
        %mul3A_121 = arith.constant 2 : i32
        %mul3A_122 = arith.muli %scan3A_119, %mul3A_121 : i32
        %mul3A_123 = arith.constant 16 : i32
        %mul3A_124 = arith.muli %mul3A_122, %mul3A_123 : i32
        %get3A_125 = arith.index_cast %mul3A_73 : i32 to index
        %get3A_126 = arith.index_cast %mul3A_124 : i32 to index
        %get3A_127 = tpu.vector_load %arg7[%get3A_125, %get3A_126] {strides = array<i32>} : memref<32x1024xi32, #tpu.memory_space<vmem>>, vector<16xi32>,
        %convert_element_type3A = arith.sitofp %get3A_127 : vector<16xi32> to vector<16xf32>
        %mul3A_128 = arith.constant 256 : i32
        %mul3A_129 = arith.muli %mul3A_122, %mul3A_128 : i32
        %add3A_130 = vector.broadcast %mul3A_129 : i32 to vector<16xi32>
        %add3A_131 = arith.addi %mul3A_17, %add3A_130 : vector<16xi32>
        %mul3A_132 = arith.mulf %convert_element_type3A, %get3A_18 : vector<16xf32>
        tpu.vector_store_idx %arg5[%add3A_131], %mul3A_132 : memref<16384xf32, #tpu.memory_space<vmem>>[vector<16xi32>], vector<16xf32>,
        %add3A_133 = arith.constant 1 : i32
        %add3A_134 = arith.addi %mul3A_122, %add3A_133 : i32
        %mul3A_135 = arith.constant 16 : i32
        %mul3A_136 = arith.muli %add3A_134, %mul3A_135 : i32
        %get3A_137 = arith.index_cast %mul3A_73 : i32 to index
        %get3A_138 = arith.index_cast %mul3A_136 : i32 to index
        %get3A_139 = tpu.vector_load %arg7[%get3A_137, %get3A_138] {strides = array<i32>} : memref<32x1024xi32, #tpu.memory_space<vmem>>, vector<16xi32>,
        %convert_element_type3A_140 = arith.sitofp %get3A_139 : vector<16xi32> to vector<16xf32>
        %mul3A_141 = arith.constant 256 : i32
        %mul3A_142 = arith.muli %add3A_134, %mul3A_141 : i32
        %add3A_143 = vector.broadcast %mul3A_142 : i32 to vector<16xi32>
        %add3A_144 = arith.addi %mul3A_17, %add3A_143 : vector<16xi32>
        %mul3A_145 = arith.mulf %convert_element_type3A_140, %get3A_20 : vector<16xf32>
        tpu.vector_store_idx %arg5[%add3A_144], %mul3A_145 : memref<16384xf32, #tpu.memory_space<vmem>>[vector<16xi32>], vector<16xf32>,
        %scan3A_146 = arith.constant 0 : i32
        %scan3A_147 = arith.constant 1 : i32
        %scan3A_148 = arith.addi %scan3A_119, %scan3A_147 : i32
        %mul3A_149 = arith.constant 2 : i32
        %mul3A_150 = arith.muli %scan3A_148, %mul3A_149 : i32
        %mul3A_151 = arith.constant 16 : i32
        %mul3A_152 = arith.muli %mul3A_150, %mul3A_151 : i32
        %get3A_153 = arith.index_cast %mul3A_73 : i32 to index
        %get3A_154 = arith.index_cast %mul3A_152 : i32 to index
        %get3A_155 = tpu.vector_load %arg7[%get3A_153, %get3A_154] {strides = array<i32>} : memref<32x1024xi32, #tpu.memory_space<vmem>>, vector<16xi32>,
        %convert_element_type3A_156 = arith.sitofp %get3A_155 : vector<16xi32> to vector<16xf32>
        %mul3A_157 = arith.constant 256 : i32
        %mul3A_158 = arith.muli %mul3A_150, %mul3A_157 : i32
        %add3A_159 = vector.broadcast %mul3A_158 : i32 to vector<16xi32>
        %add3A_160 = arith.addi %mul3A_17, %add3A_159 : vector<16xi32>
        %mul3A_161 = arith.mulf %convert_element_type3A_156, %get3A_18 : vector<16xf32>
        tpu.vector_store_idx %arg5[%add3A_160], %mul3A_161 : memref<16384xf32, #tpu.memory_space<vmem>>[vector<16xi32>], vector<16xf32>,
        %add3A_162 = arith.constant 1 : i32
        %add3A_163 = arith.addi %mul3A_150, %add3A_162 : i32
        %mul3A_164 = arith.constant 16 : i32
        %mul3A_165 = arith.muli %add3A_163, %mul3A_164 : i32
        %get3A_166 = arith.index_cast %mul3A_73 : i32 to index
        %get3A_167 = arith.index_cast %mul3A_165 : i32 to index
        %get3A_168 = tpu.vector_load %arg7[%get3A_166, %get3A_167] {strides = array<i32>} : memref<32x1024xi32, #tpu.memory_space<vmem>>, vector<16xi32>,
        %convert_element_type3A_169 = arith.sitofp %get3A_168 : vector<16xi32> to vector<16xf32>
        %mul3A_170 = arith.constant 256 : i32
        %mul3A_171 = arith.muli %add3A_163, %mul3A_170 : i32
        %add3A_172 = vector.broadcast %mul3A_171 : i32 to vector<16xi32>
        %add3A_173 = arith.addi %mul3A_17, %add3A_172 : vector<16xi32>
        %mul3A_174 = arith.mulf %convert_element_type3A_169, %get3A_20 : vector<16xf32>
        tpu.vector_store_idx %arg5[%add3A_173], %mul3A_174 : memref<16384xf32, #tpu.memory_space<vmem>>[vector<16xi32>], vector<16xf32>,
        %scan3A_175 = arith.constant 0 : i32
        %scan3A_176 = arith.constant 2 : i32
        %scan3A_177 = arith.addi %scan3A_119, %scan3A_176 : i32
        %mul3A_178 = arith.constant 2 : i32
        %mul3A_179 = arith.muli %scan3A_177, %mul3A_178 : i32
        %mul3A_180 = arith.constant 16 : i32
        %mul3A_181 = arith.muli %mul3A_179, %mul3A_180 : i32
        %get3A_182 = arith.index_cast %mul3A_73 : i32 to index
        %get3A_183 = arith.index_cast %mul3A_181 : i32 to index
        %get3A_184 = tpu.vector_load %arg7[%get3A_182, %get3A_183] {strides = array<i32>} : memref<32x1024xi32, #tpu.memory_space<vmem>>, vector<16xi32>,
        %convert_element_type3A_185 = arith.sitofp %get3A_184 : vector<16xi32> to vector<16xf32>
        %mul3A_186 = arith.constant 256 : i32
        %mul3A_187 = arith.muli %mul3A_179, %mul3A_186 : i32
        %add3A_188 = vector.broadcast %mul3A_187 : i32 to vector<16xi32>
        %add3A_189 = arith.addi %mul3A_17, %add3A_188 : vector<16xi32>
        %mul3A_190 = arith.mulf %convert_element_type3A_185, %get3A_18 : vector<16xf32>
        tpu.vector_store_idx %arg5[%add3A_189], %mul3A_190 : memref<16384xf32, #tpu.memory_space<vmem>>[vector<16xi32>], vector<16xf32>,
        %add3A_191 = arith.constant 1 : i32
        %add3A_192 = arith.addi %mul3A_179, %add3A_191 : i32
        %mul3A_193 = arith.constant 16 : i32
        %mul3A_194 = arith.muli %add3A_192, %mul3A_193 : i32
        %get3A_195 = arith.index_cast %mul3A_73 : i32 to index
        %get3A_196 = arith.index_cast %mul3A_194 : i32 to index
        %get3A_197 = tpu.vector_load %arg7[%get3A_195, %get3A_196] {strides = array<i32>} : memref<32x1024xi32, #tpu.memory_space<vmem>>, vector<16xi32>,
        %convert_element_type3A_198 = arith.sitofp %get3A_197 : vector<16xi32> to vector<16xf32>
        %mul3A_199 = arith.constant 256 : i32
        %mul3A_200 = arith.muli %add3A_192, %mul3A_199 : i32
        %add3A_201 = vector.broadcast %mul3A_200 : i32 to vector<16xi32>
        %add3A_202 = arith.addi %mul3A_17, %add3A_201 : vector<16xi32>
        %mul3A_203 = arith.mulf %convert_element_type3A_198, %get3A_20 : vector<16xf32>
        tpu.vector_store_idx %arg5[%add3A_202], %mul3A_203 : memref<16384xf32, #tpu.memory_space<vmem>>[vector<16xi32>], vector<16xf32>,
        %scan3A_204 = arith.constant 0 : i32
        %scan3A_205 = arith.constant 3 : i32
        %scan3A_206 = arith.addi %scan3A_119, %scan3A_205 : i32
        %mul3A_207 = arith.constant 2 : i32
        %mul3A_208 = arith.muli %scan3A_206, %mul3A_207 : i32
        %mul3A_209 = arith.constant 16 : i32
        %mul3A_210 = arith.muli %mul3A_208, %mul3A_209 : i32
        %get3A_211 = arith.index_cast %mul3A_73 : i32 to index
        %get3A_212 = arith.index_cast %mul3A_210 : i32 to index
        %get3A_213 = tpu.vector_load %arg7[%get3A_211, %get3A_212] {strides = array<i32>} : memref<32x1024xi32, #tpu.memory_space<vmem>>, vector<16xi32>,
        %convert_element_type3A_214 = arith.sitofp %get3A_213 : vector<16xi32> to vector<16xf32>
        %mul3A_215 = arith.constant 256 : i32
        %mul3A_216 = arith.muli %mul3A_208, %mul3A_215 : i32
        %add3A_217 = vector.broadcast %mul3A_216 : i32 to vector<16xi32>
        %add3A_218 = arith.addi %mul3A_17, %add3A_217 : vector<16xi32>
        %mul3A_219 = arith.mulf %convert_element_type3A_214, %get3A_18 : vector<16xf32>
        tpu.vector_store_idx %arg5[%add3A_218], %mul3A_219 : memref<16384xf32, #tpu.memory_space<vmem>>[vector<16xi32>], vector<16xf32>,
        %add3A_220 = arith.constant 1 : i32
        %add3A_221 = arith.addi %mul3A_208, %add3A_220 : i32
        %mul3A_222 = arith.constant 16 : i32
        %mul3A_223 = arith.muli %add3A_221, %mul3A_222 : i32
        %get3A_224 = arith.index_cast %mul3A_73 : i32 to index
        %get3A_225 = arith.index_cast %mul3A_223 : i32 to index
        %get3A_226 = tpu.vector_load %arg7[%get3A_224, %get3A_225] {strides = array<i32>} : memref<32x1024xi32, #tpu.memory_space<vmem>>, vector<16xi32>,
        %convert_element_type3A_227 = arith.sitofp %get3A_226 : vector<16xi32> to vector<16xf32>
        %mul3A_228 = arith.constant 256 : i32
        %mul3A_229 = arith.muli %add3A_221, %mul3A_228 : i32
        %add3A_230 = vector.broadcast %mul3A_229 : i32 to vector<16xi32>
        %add3A_231 = arith.addi %mul3A_17, %add3A_230 : vector<16xi32>
        %mul3A_232 = arith.mulf %convert_element_type3A_227, %get3A_20 : vector<16xf32>
        tpu.vector_store_idx %arg5[%add3A_231], %mul3A_232 : memref<16384xf32, #tpu.memory_space<vmem>>[vector<16xi32>], vector<16xf32>,
        %scan3A_233 = arith.constant 0 : i32
        scf.yield %scan3A_233 : i32
      }
      %scan3A_87 = arith.constant 32 : i32
      %add3A_88 = arith.addi %mul3A_2, %mul3A_73 : i32
      %dma_start3A_89 = arith.constant 0 : i32
      %dma_start3A_90 = tpu.memref_slice %arg4[%add3A_88, %dma_start3A_89] : memref<1024x16384xf32, #tpu.memory_space<hbm>> -> memref<1x16384xf32, #tpu.memory_space<hbm>>
      %dma_start3A_91 = tpu.memref_squeeze %dma_start3A_90 : memref<1x16384xf32, #tpu.memory_space<hbm>> -> memref<16384xf32, #tpu.memory_space<hbm>>
      %dma_start3A_92 = arith.constant 0 : i32
      %dma_start3A_93 = tpu.memref_slice %arg4[%add3A_88, %dma_start3A_92] : memref<1024x16384xf32, #tpu.memory_space<hbm>> -> memref<1x16384xf32, #tpu.memory_space<hbm>>
      %dma_start3A_94 = tpu.memref_squeeze %dma_start3A_93 : memref<1x16384xf32, #tpu.memory_space<hbm>> -> memref<16384xf32, #tpu.memory_space<hbm>>
      tpu.enqueue_dma source(%arg5 : memref<16384xf32, #tpu.memory_space<vmem>>) target(%dma_start3A_94 : memref<16384xf32, #tpu.memory_space<hbm>>) target_semaphore(%arg9 : memref<!tpu.dma_semaphore, #tpu.memory_space<semaphore_mem>>)
      %add3A_95 = arith.constant 1 : i32
      %add3A_96 = arith.addi %mul3A_73, %add3A_95 : i32
      %add3A_97 = arith.addi %mul3A_2, %add3A_96 : i32
      %dma_wait3A_98 = arith.constant 0 : i32
      %dma_wait3A_99 = tpu.memref_slice %arg4[%add3A_97, %dma_wait3A_98] : memref<1024x16384xf32, #tpu.memory_space<hbm>> -> memref<1x16384xf32, #tpu.memory_space<hbm>>
      %dma_wait3A_100 = tpu.memref_squeeze %dma_wait3A_99 : memref<1x16384xf32, #tpu.memory_space<hbm>> -> memref<16384xf32, #tpu.memory_space<hbm>>
      %dma_wait3A_101 = arith.constant 0 : i32
      %dma_wait3A_102 = tpu.memref_slice %arg4[%add3A_97, %dma_wait3A_101] : memref<1024x16384xf32, #tpu.memory_space<hbm>> -> memref<1x16384xf32, #tpu.memory_space<hbm>>
      %dma_wait3A_103 = tpu.memref_squeeze %dma_wait3A_102 : memref<1x16384xf32, #tpu.memory_space<hbm>> -> memref<16384xf32, #tpu.memory_space<hbm>>
      tpu.wait_dma2 semaphore(%arg10 : memref<!tpu.dma_semaphore, #tpu.memory_space<semaphore_mem>>) src(%arg6 : memref<16384xf32, #tpu.memory_space<vmem>>) dst(%dma_wait3A_103 : memref<16384xf32, #tpu.memory_space<hbm>>)
      %scan3A_104 = arith.constant 0 : i32
      %scan3A_105 = arith.constant 0 : i32
      %scan3A_106 = arith.constant 32 : i32
      %scan3A_107 = arith.addi %scan3A_105, %scan3A_106 : i32
      %scan3A_108 = arith.constant 4 : i32
      %scan3A_109 = scf.for %scan3A_119 = %scan3A_105 to %scan3A_107 step %scan3A_108 iter_args(%scan3A_120 = %scan3A_104) -> (i32)  : i32 {
        %mul3A_121 = arith.constant 2 : i32
        %mul3A_122 = arith.muli %scan3A_119, %mul3A_121 : i32
        %mul3A_123 = arith.constant 16 : i32
        %mul3A_124 = arith.muli %mul3A_122, %mul3A_123 : i32
        %get3A_125 = arith.index_cast %add3A_96 : i32 to index
        %get3A_126 = arith.index_cast %mul3A_124 : i32 to index
        %get3A_127 = tpu.vector_load %arg7[%get3A_125, %get3A_126] {strides = array<i32>} : memref<32x1024xi32, #tpu.memory_space<vmem>>, vector<16xi32>,
        %convert_element_type3A = arith.sitofp %get3A_127 : vector<16xi32> to vector<16xf32>
        %mul3A_128 = arith.constant 256 : i32
        %mul3A_129 = arith.muli %mul3A_122, %mul3A_128 : i32
        %add3A_130 = vector.broadcast %mul3A_129 : i32 to vector<16xi32>
        %add3A_131 = arith.addi %mul3A_17, %add3A_130 : vector<16xi32>
        %mul3A_132 = arith.mulf %convert_element_type3A, %get3A_18 : vector<16xf32>
        tpu.vector_store_idx %arg6[%add3A_131], %mul3A_132 : memref<16384xf32, #tpu.memory_space<vmem>>[vector<16xi32>], vector<16xf32>,
        %add3A_133 = arith.constant 1 : i32
        %add3A_134 = arith.addi %mul3A_122, %add3A_133 : i32
        %mul3A_135 = arith.constant 16 : i32
        %mul3A_136 = arith.muli %add3A_134, %mul3A_135 : i32
        %get3A_137 = arith.index_cast %add3A_96 : i32 to index
        %get3A_138 = arith.index_cast %mul3A_136 : i32 to index
        %get3A_139 = tpu.vector_load %arg7[%get3A_137, %get3A_138] {strides = array<i32>} : memref<32x1024xi32, #tpu.memory_space<vmem>>, vector<16xi32>,
        %convert_element_type3A_140 = arith.sitofp %get3A_139 : vector<16xi32> to vector<16xf32>
        %mul3A_141 = arith.constant 256 : i32
        %mul3A_142 = arith.muli %add3A_134, %mul3A_141 : i32
        %add3A_143 = vector.broadcast %mul3A_142 : i32 to vector<16xi32>
        %add3A_144 = arith.addi %mul3A_17, %add3A_143 : vector<16xi32>
        %mul3A_145 = arith.mulf %convert_element_type3A_140, %get3A_20 : vector<16xf32>
        tpu.vector_store_idx %arg6[%add3A_144], %mul3A_145 : memref<16384xf32, #tpu.memory_space<vmem>>[vector<16xi32>], vector<16xf32>,
        %scan3A_146 = arith.constant 0 : i32
        %scan3A_147 = arith.constant 1 : i32
        %scan3A_148 = arith.addi %scan3A_119, %scan3A_147 : i32
        %mul3A_149 = arith.constant 2 : i32
        %mul3A_150 = arith.muli %scan3A_148, %mul3A_149 : i32
        %mul3A_151 = arith.constant 16 : i32
        %mul3A_152 = arith.muli %mul3A_150, %mul3A_151 : i32
        %get3A_153 = arith.index_cast %add3A_96 : i32 to index
        %get3A_154 = arith.index_cast %mul3A_152 : i32 to index
        %get3A_155 = tpu.vector_load %arg7[%get3A_153, %get3A_154] {strides = array<i32>} : memref<32x1024xi32, #tpu.memory_space<vmem>>, vector<16xi32>,
        %convert_element_type3A_156 = arith.sitofp %get3A_155 : vector<16xi32> to vector<16xf32>
        %mul3A_157 = arith.constant 256 : i32
        %mul3A_158 = arith.muli %mul3A_150, %mul3A_157 : i32
        %add3A_159 = vector.broadcast %mul3A_158 : i32 to vector<16xi32>
        %add3A_160 = arith.addi %mul3A_17, %add3A_159 : vector<16xi32>
        %mul3A_161 = arith.mulf %convert_element_type3A_156, %get3A_18 : vector<16xf32>
        tpu.vector_store_idx %arg6[%add3A_160], %mul3A_161 : memref<16384xf32, #tpu.memory_space<vmem>>[vector<16xi32>], vector<16xf32>,
        %add3A_162 = arith.constant 1 : i32
        %add3A_163 = arith.addi %mul3A_150, %add3A_162 : i32
        %mul3A_164 = arith.constant 16 : i32
        %mul3A_165 = arith.muli %add3A_163, %mul3A_164 : i32
        %get3A_166 = arith.index_cast %add3A_96 : i32 to index
        %get3A_167 = arith.index_cast %mul3A_165 : i32 to index
        %get3A_168 = tpu.vector_load %arg7[%get3A_166, %get3A_167] {strides = array<i32>} : memref<32x1024xi32, #tpu.memory_space<vmem>>, vector<16xi32>,
        %convert_element_type3A_169 = arith.sitofp %get3A_168 : vector<16xi32> to vector<16xf32>
        %mul3A_170 = arith.constant 256 : i32
        %mul3A_171 = arith.muli %add3A_163, %mul3A_170 : i32
        %add3A_172 = vector.broadcast %mul3A_171 : i32 to vector<16xi32>
        %add3A_173 = arith.addi %mul3A_17, %add3A_172 : vector<16xi32>
        %mul3A_174 = arith.mulf %convert_element_type3A_169, %get3A_20 : vector<16xf32>
        tpu.vector_store_idx %arg6[%add3A_173], %mul3A_174 : memref<16384xf32, #tpu.memory_space<vmem>>[vector<16xi32>], vector<16xf32>,
        %scan3A_175 = arith.constant 0 : i32
        %scan3A_176 = arith.constant 2 : i32
        %scan3A_177 = arith.addi %scan3A_119, %scan3A_176 : i32
        %mul3A_178 = arith.constant 2 : i32
        %mul3A_179 = arith.muli %scan3A_177, %mul3A_178 : i32
        %mul3A_180 = arith.constant 16 : i32
        %mul3A_181 = arith.muli %mul3A_179, %mul3A_180 : i32
        %get3A_182 = arith.index_cast %add3A_96 : i32 to index
        %get3A_183 = arith.index_cast %mul3A_181 : i32 to index
        %get3A_184 = tpu.vector_load %arg7[%get3A_182, %get3A_183] {strides = array<i32>} : memref<32x1024xi32, #tpu.memory_space<vmem>>, vector<16xi32>,
        %convert_element_type3A_185 = arith.sitofp %get3A_184 : vector<16xi32> to vector<16xf32>
        %mul3A_186 = arith.constant 256 : i32
        %mul3A_187 = arith.muli %mul3A_179, %mul3A_186 : i32
        %add3A_188 = vector.broadcast %mul3A_187 : i32 to vector<16xi32>
        %add3A_189 = arith.addi %mul3A_17, %add3A_188 : vector<16xi32>
        %mul3A_190 = arith.mulf %convert_element_type3A_185, %get3A_18 : vector<16xf32>
        tpu.vector_store_idx %arg6[%add3A_189], %mul3A_190 : memref<16384xf32, #tpu.memory_space<vmem>>[vector<16xi32>], vector<16xf32>,
        %add3A_191 = arith.constant 1 : i32
        %add3A_192 = arith.addi %mul3A_179, %add3A_191 : i32
        %mul3A_193 = arith.constant 16 : i32
        %mul3A_194 = arith.muli %add3A_192, %mul3A_193 : i32
        %get3A_195 = arith.index_cast %add3A_96 : i32 to index
        %get3A_196 = arith.index_cast %mul3A_194 : i32 to index
        %get3A_197 = tpu.vector_load %arg7[%get3A_195, %get3A_196] {strides = array<i32>} : memref<32x1024xi32, #tpu.memory_space<vmem>>, vector<16xi32>,
        %convert_element_type3A_198 = arith.sitofp %get3A_197 : vector<16xi32> to vector<16xf32>
        %mul3A_199 = arith.constant 256 : i32
        %mul3A_200 = arith.muli %add3A_192, %mul3A_199 : i32
        %add3A_201 = vector.broadcast %mul3A_200 : i32 to vector<16xi32>
        %add3A_202 = arith.addi %mul3A_17, %add3A_201 : vector<16xi32>
        %mul3A_203 = arith.mulf %convert_element_type3A_198, %get3A_20 : vector<16xf32>
        tpu.vector_store_idx %arg6[%add3A_202], %mul3A_203 : memref<16384xf32, #tpu.memory_space<vmem>>[vector<16xi32>], vector<16xf32>,
        %scan3A_204 = arith.constant 0 : i32
        %scan3A_205 = arith.constant 3 : i32
        %scan3A_206 = arith.addi %scan3A_119, %scan3A_205 : i32
        %mul3A_207 = arith.constant 2 : i32
        %mul3A_208 = arith.muli %scan3A_206, %mul3A_207 : i32
        %mul3A_209 = arith.constant 16 : i32
        %mul3A_210 = arith.muli %mul3A_208, %mul3A_209 : i32
        %get3A_211 = arith.index_cast %add3A_96 : i32 to index
        %get3A_212 = arith.index_cast %mul3A_210 : i32 to index
        %get3A_213 = tpu.vector_load %arg7[%get3A_211, %get3A_212] {strides = array<i32>} : memref<32x1024xi32, #tpu.memory_space<vmem>>, vector<16xi32>,
        %convert_element_type3A_214 = arith.sitofp %get3A_213 : vector<16xi32> to vector<16xf32>
        %mul3A_215 = arith.constant 256 : i32
        %mul3A_216 = arith.muli %mul3A_208, %mul3A_215 : i32
        %add3A_217 = vector.broadcast %mul3A_216 : i32 to vector<16xi32>
        %add3A_218 = arith.addi %mul3A_17, %add3A_217 : vector<16xi32>
        %mul3A_219 = arith.mulf %convert_element_type3A_214, %get3A_18 : vector<16xf32>
        tpu.vector_store_idx %arg6[%add3A_218], %mul3A_219 : memref<16384xf32, #tpu.memory_space<vmem>>[vector<16xi32>], vector<16xf32>,
        %add3A_220 = arith.constant 1 : i32
        %add3A_221 = arith.addi %mul3A_208, %add3A_220 : i32
        %mul3A_222 = arith.constant 16 : i32
        %mul3A_223 = arith.muli %add3A_221, %mul3A_222 : i32
        %get3A_224 = arith.index_cast %add3A_96 : i32 to index
        %get3A_225 = arith.index_cast %mul3A_223 : i32 to index
        %get3A_226 = tpu.vector_load %arg7[%get3A_224, %get3A_225] {strides = array<i32>} : memref<32x1024xi32, #tpu.memory_space<vmem>>, vector<16xi32>,
        %convert_element_type3A_227 = arith.sitofp %get3A_226 : vector<16xi32> to vector<16xf32>
        %mul3A_228 = arith.constant 256 : i32
        %mul3A_229 = arith.muli %add3A_221, %mul3A_228 : i32
        %add3A_230 = vector.broadcast %mul3A_229 : i32 to vector<16xi32>
        %add3A_231 = arith.addi %mul3A_17, %add3A_230 : vector<16xi32>
        %mul3A_232 = arith.mulf %convert_element_type3A_227, %get3A_20 : vector<16xf32>
        tpu.vector_store_idx %arg6[%add3A_231], %mul3A_232 : memref<16384xf32, #tpu.memory_space<vmem>>[vector<16xi32>], vector<16xf32>,
        %scan3A_233 = arith.constant 0 : i32
        scf.yield %scan3A_233 : i32
      }
      %scan3A_110 = arith.constant 32 : i32
      %add3A_111 = arith.addi %mul3A_2, %add3A_96 : i32
      %dma_start3A_112 = arith.constant 0 : i32
      %dma_start3A_113 = tpu.memref_slice %arg4[%add3A_111, %dma_start3A_112] : memref<1024x16384xf32, #tpu.memory_space<hbm>> -> memref<1x16384xf32, #tpu.memory_space<hbm>>
      %dma_start3A_114 = tpu.memref_squeeze %dma_start3A_113 : memref<1x16384xf32, #tpu.memory_space<hbm>> -> memref<16384xf32, #tpu.memory_space<hbm>>
      %dma_start3A_115 = arith.constant 0 : i32
      %dma_start3A_116 = tpu.memref_slice %arg4[%add3A_111, %dma_start3A_115] : memref<1024x16384xf32, #tpu.memory_space<hbm>> -> memref<1x16384xf32, #tpu.memory_space<hbm>>
      %dma_start3A_117 = tpu.memref_squeeze %dma_start3A_116 : memref<1x16384xf32, #tpu.memory_space<hbm>> -> memref<16384xf32, #tpu.memory_space<hbm>>
      tpu.enqueue_dma source(%arg6 : memref<16384xf32, #tpu.memory_space<vmem>>) target(%dma_start3A_117 : memref<16384xf32, #tpu.memory_space<hbm>>) target_semaphore(%arg10 : memref<!tpu.dma_semaphore, #tpu.memory_space<semaphore_mem>>)
      %scan3A_118 = arith.constant 0 : i32
      scf.yield %scan3A_118 : i32
    }
    %scan3A_57 = arith.constant 15 : i32
    %dma_wait3A_58 = arith.constant 0 : i32
    %dma_wait3A_59 = tpu.memref_slice %arg4[%mul3A_2, %dma_wait3A_58] : memref<1024x16384xf32, #tpu.memory_space<hbm>> -> memref<1x16384xf32, #tpu.memory_space<hbm>>
    %dma_wait3A_60 = tpu.memref_squeeze %dma_wait3A_59 : memref<1x16384xf32, #tpu.memory_space<hbm>> -> memref<16384xf32, #tpu.memory_space<hbm>>
    %dma_wait3A_61 = arith.constant 0 : i32
    %dma_wait3A_62 = tpu.memref_slice %arg4[%mul3A_2, %dma_wait3A_61] : memref<1024x16384xf32, #tpu.memory_space<hbm>> -> memref<1x16384xf32, #tpu.memory_space<hbm>>
    %dma_wait3A_63 = tpu.memref_squeeze %dma_wait3A_62 : memref<1x16384xf32, #tpu.memory_space<hbm>> -> memref<16384xf32, #tpu.memory_space<hbm>>
    tpu.wait_dma2 semaphore(%arg9 : memref<!tpu.dma_semaphore, #tpu.memory_space<semaphore_mem>>) src(%arg5 : memref<16384xf32, #tpu.memory_space<vmem>>) dst(%dma_wait3A_63 : memref<16384xf32, #tpu.memory_space<hbm>>)
    %dma_wait3A_64 = arith.constant 0 : i32
    %dma_wait3A_65 = tpu.memref_slice %arg4[%mul3A_2, %dma_wait3A_64] : memref<1024x16384xf32, #tpu.memory_space<hbm>> -> memref<1x16384xf32, #tpu.memory_space<hbm>>
    %dma_wait3A_66 = tpu.memref_squeeze %dma_wait3A_65 : memref<1x16384xf32, #tpu.memory_space<hbm>> -> memref<16384xf32, #tpu.memory_space<hbm>>
    %dma_wait3A_67 = arith.constant 0 : i32
    %dma_wait3A_68 = tpu.memref_slice %arg4[%mul3A_2, %dma_wait3A_67] : memref<1024x16384xf32, #tpu.memory_space<hbm>> -> memref<1x16384xf32, #tpu.memory_space<hbm>>
    %dma_wait3A_69 = tpu.memref_squeeze %dma_wait3A_68 : memref<1x16384xf32, #tpu.memory_space<hbm>> -> memref<16384xf32, #tpu.memory_space<hbm>>
    tpu.wait_dma2 semaphore(%arg10 : memref<!tpu.dma_semaphore, #tpu.memory_space<semaphore_mem>>) src(%arg6 : memref<16384xf32, #tpu.memory_space<vmem>>) dst(%dma_wait3A_69 : memref<16384xf32, #tpu.memory_space<hbm>>)
    return
  }
}

module attributes {stable_mosaic.version = 14 : i64} {
  func.func @_head_body(%arg0: memref<1024x512xf32, #tpu.memory_space<vmem>>, %arg1: memref<1024x1024xi32, #tpu.memory_space<vmem>>, %arg2: memref<1x1024xf32, #tpu.memory_space<vmem>>, %arg3: memref<512x16xf32, #tpu.memory_space<vmem>>, %arg4: memref<1024x16xf32, #tpu.memory_space<vmem>>, %arg5: memref<1x16xf32, #tpu.memory_space<vmem>>, %arg6: memref<1024x16xf32, #tpu.memory_space<vmem>>, %arg7: memref<1024x1xi32, #tpu.memory_space<vmem>>, %arg8: memref<1024x1xf32, #tpu.memory_space<vmem>>) attributes {dimension_semantics = [], scalar_prefetch = 0 : i64, scratch_operands = 0 : i64, tpu.core_type = #tpu.core_type<tc>} {
    %get3A = arith.constant 0 : index
    %get3A_0 = arith.constant 0 : index
    %get3A_1 = vector.load %arg0[%get3A, %get3A_0] : memref<1024x512xf32, #tpu.memory_space<vmem>>, vector<1024x512xf32>
    %get3A_2 = arith.constant 0 : index
    %get3A_3 = arith.constant 0 : index
    %get3A_4 = vector.load %arg1[%get3A_2, %get3A_3] : memref<1024x1024xi32, #tpu.memory_space<vmem>>, vector<1024x1024xi32>
    %convert_element_type3A = arith.sitofp %get3A_4 : vector<1024x1024xi32> to vector<1024x1024xf32>
    %get3A_5 = arith.constant 0 : index
    %get3A_6 = arith.constant 0 : index
    %get3A_7 = vector.load %arg2[%get3A_5, %get3A_6] : memref<1x1024xf32, #tpu.memory_space<vmem>>, vector<1x1024xf32>
    %mul3A = vector.broadcast %get3A_7 : vector<1x1024xf32> to vector<1024x1024xf32>
    %mul3A_8 = arith.mulf %convert_element_type3A, %mul3A : vector<1024x1024xf32>
    %get3A_9 = arith.constant 0 : index
    %get3A_10 = arith.constant 0 : index
    %get3A_11 = vector.load %arg3[%get3A_9, %get3A_10] : memref<512x16xf32, #tpu.memory_space<vmem>>, vector<512x16xf32>
    %dot_general3A = arith.constant dense<0.000000e+00> : vector<1024x16xf32>
    %dot_general3A_12 = tpu.matmul %get3A_1, %get3A_11, %dot_general3A {dimension_numbers = #tpu.dot_dimension_numbers<[1], [0], [0], [1], [0, 0, 1, 1], [], []>, transpose_lhs_hint = false} : vector<1024x512xf32>, vector<512x16xf32>, vector<1024x16xf32> -> vector<1024x16xf32>
    %get3A_13 = arith.constant 0 : index
    %get3A_14 = arith.constant 0 : index
    %get3A_15 = vector.load %arg4[%get3A_13, %get3A_14] : memref<1024x16xf32, #tpu.memory_space<vmem>>, vector<1024x16xf32>
    %dot_general3A_16 = arith.constant dense<0.000000e+00> : vector<1024x16xf32>
    %dot_general3A_17 = tpu.matmul %mul3A_8, %get3A_15, %dot_general3A_16 {dimension_numbers = #tpu.dot_dimension_numbers<[1], [0], [0], [1], [0, 0, 1, 1], [], []>, transpose_lhs_hint = false} : vector<1024x1024xf32>, vector<1024x16xf32>, vector<1024x16xf32> -> vector<1024x16xf32>
    %add3A = arith.addf %dot_general3A_12, %dot_general3A_17 : vector<1024x16xf32>
    %get3A_18 = arith.constant 0 : index
    %get3A_19 = arith.constant 0 : index
    %get3A_20 = vector.load %arg5[%get3A_18, %get3A_19] : memref<1x16xf32, #tpu.memory_space<vmem>>, vector<1x16xf32>
    %add3A_21 = vector.broadcast %get3A_20 : vector<1x16xf32> to vector<1024x16xf32>
    %add3A_22 = arith.addf %add3A, %add3A_21 : vector<1024x16xf32>
    %get3A_23 = arith.constant 0 : index
    %get3A_24 = arith.constant 0 : index
    %get3A_25 = vector.load %arg6[%get3A_23, %get3A_24] : memref<1024x16xf32, #tpu.memory_space<vmem>>, vector<1024x16xf32>
    %gt3A = arith.constant 0.000000e+00 : f32
    %gt3A_26 = vector.broadcast %gt3A : f32 to vector<1024x16xf32>
    %gt3A_27 = arith.cmpf ogt, %get3A_25, %gt3A_26 : vector<1024x16xf32>
    %jit3A = arith.constant -1.000000e+10 : f32
    %broadcast_in_dim3A = vector.broadcast %jit3A : f32 to vector<1024x16xf32>
    %select_n3A = arith.select %gt3A_27, %add3A_22, %broadcast_in_dim3A : vector<1024x16xi1>, vector<1024x16xf32>
    %reduce_max3A = arith.constant dense<0xFF800000> : vector<1024xf32>
    %reduce_max3A_28 = vector.multi_reduction <maximumf>, %select_n3A, %reduce_max3A [1] : vector<1024x16xf32> to vector<1024xf32>
    %broadcast_in_dim3A_29 = vector.shape_cast %reduce_max3A_28 : vector<1024xf32> to vector<1024x1xf32>
    %sub3A = vector.broadcast %broadcast_in_dim3A_29 : vector<1024x1xf32> to vector<1024x16xf32>
    %sub3A_30 = arith.subf %select_n3A, %sub3A : vector<1024x16xf32>
    %exp3A = math.exp %sub3A_30 : vector<1024x16xf32>
    %reduce_sum3A = arith.constant dense<0.000000e+00> : vector<1024xf32>
    %reduce_sum3A_31 = vector.multi_reduction <add>, %exp3A, %reduce_sum3A [1] : vector<1024x16xf32> to vector<1024xf32>
    %broadcast_in_dim3A_32 = vector.shape_cast %reduce_sum3A_31 : vector<1024xf32> to vector<1024x1xf32>
    %log3A = math.log %broadcast_in_dim3A_32 : vector<1024x1xf32>
    %argmax3A = tpu.reduce_index %select_n3A {axis = 1 : i32, kind = #tpu.reduction_kind<arg_max>} : vector<1024x16xf32> -> vector<1024xi32>
    %broadcast_in_dim3A_33 = vector.shape_cast %argmax3A : vector<1024xi32> to vector<1024x1xi32>
    %swap3A = arith.constant 0 : index
    %swap3A_34 = arith.constant 0 : index
    %swap3A_35 = vector.load %arg7[%swap3A, %swap3A_34] : memref<1024x1xi32, #tpu.memory_space<vmem>>, vector<1024x1xi32>
    tpu.vector_store %arg7[%swap3A, %swap3A_34], %broadcast_in_dim3A_33 {strides = array<i32>} : memref<1024x1xi32, #tpu.memory_space<vmem>>, vector<1024x1xi32>,
    %neg3A = arith.constant 0.000000e+00 : f32
    %neg3A_36 = vector.broadcast %neg3A : f32 to vector<1024x1xf32>
    %neg3A_37 = arith.subf %neg3A_36, %log3A : vector<1024x1xf32>
    %swap3A_38 = arith.constant 0 : index
    %swap3A_39 = arith.constant 0 : index
    %swap3A_40 = vector.load %arg8[%swap3A_38, %swap3A_39] : memref<1024x1xf32, #tpu.memory_space<vmem>>, vector<1024x1xf32>
    tpu.vector_store %arg8[%swap3A_38, %swap3A_39], %neg3A_37 {strides = array<i32>} : memref<1024x1xf32, #tpu.memory_space<vmem>>, vector<1024x1xf32>,
    return
  }
}

</mosaic_0001>

<sc_bundles>
// kernel: kernel.4.cloned.1.call-start
scs
__scs_entry_jumppad:
0x0: {  	(pc) =	sbr.rel $0x88, $3  }
0x1: {  	(tag) =	ssettag $0x0;
	lr =	simm.s32 $0x1  }
0x2: {  	[smem:$0x3F9B] =	sst lr;
	_ =	strace $0xD0000000  }
0x3: {  	_ = 	snop  }
0x4: {  	_ = 	snop  }
0x5: {  	_ = 	snop  }
0x6: {  	_ = 	snop  }
0x7: {  	_ = 	snop  }
__scs_overlays_trampoline_lowered:
0x8: {  	[smem:$0x3FAA] =	sst s0  }
0x9: {  	[smem:$0x3FAB] =	sst s1  }
0xa: {  	[smem:$0x3FAC] =	sst s2  }
0xb: {  	[smem:$0x3FAD] =	sst s3  }
0xc: {  	[smem:$0x3FAE] =	sst s4  }
0xd: {  	[smem:$0x3FAF] =	sst s5  }
0xe: {  	[smem:$0x3FB0] =	sst s6  }
0xf: {  	[smem:$0x3FB1] =	sst s7  }
0x10: {  	[smem:$0x3FB2] =	sst s8  }
0x11: {  	[smem:$0x3FB3] =	sst s9;
	s0 =	simm.s32 @!p0 $0x0  }
0x12: {  	s1 =	sld [smem:$0x3F99];
	s0 =	simm.s32 @p0 $0x1  }
0x13: {  	[smem:$0x3FB4] =	sst s0;
	s0 =	simm.s32 @!p1 $0x0  }
0x14: {  	s2 =	sld [smem:$0x3F98];
	s0 =	simm.s32 @p1 $0x1  }
0x15: {  	[smem:$0x3FB5] =	sst s0;
	s0 =	simm.s32 @!p2 $0x0  }
0x16: {  	s3 =	sld [smem:$0x3FDB];
	s0 =	simm.s32 @p2 $0x1  }
0x17: {  	s4 =	simm.s32 $0x1BF5;
	[smem:$0x3FB7] =	sst s0  }
0x18: {  	s0 =	sld [smem:$0x3F9A];
	_ =	swait.ge [sflag:s4], $0x0  }
0x19: {  	s7 =	sld [smem:$0x3F9B]  }
0x1a: {  	s8 =	sadd.s32 $0xFFFFE003, lr  }
0x1b: {  	s9 =	sadd.s32 $0xFFFFFEF7, lr;
	s5 =	simm.s32 $0xFFFFFFFF;
	p2 =	slt.u32 s8, $0xFFFFF086  }
0x1c: {  	p1 =	slt.u32 s9, $0xF7A;
	s5 =	simm.s32 @!p2 $0x0  }
0x1d: {  	s5 =	simm.s32 @p1 $0x1;
	p0 =	seq.s32 s7, s2  }
0x1e: {  	s7 =	smul.u32 @!p0 $0xF7A, s2;
	p2 =	seq.s32 @!p0 s5, $0x0  }
0x1f: {  	s9 =	smul.u32 $0xF7A, s1;
	s8 =	simm.s32 @!p0 $0x1BF5;
	p2 =	por !p2, p0  }
0x20: {  	[sflag:s8] =	ssyncset.s32 @!p0 $0xFFFFF086;
	s6 =	sadd.s32 @!p0 s3, s7;
	s7 =	simm.s32 @!p0 $0x108  }
0x21: {  	s3 =	sadd.s32 s3, s9;
	s6 =	sadd.s32 @!p0 $0x88, s6;
	s7 =	simm.s32 @p2 $0x1082  }
0x22: {  	[simem:s7], [sflag:s8] =	dma.local @!p0 [hbm:s6], $0xF7A  }
0x23: {  	s9 =	sor.u32 $0xD0000000, s2;
	s6 =	simm.s32 $0x108;
	_ =	swait.ge @!p0 [sflag:s8], $0x0  }
0x24: {  	s3 =	sadd.s32 $0x88, s3;
	s6 =	simm.s32 @!p1 $0x1082;
	[sflag:s4] =	ssyncset.s32 $0xFFFFF086  }
0x25: {  	[simem:s6], [sflag:s4] =	dma.local [hbm:s3], $0xF7A  }
0x26: {  	[smem:$0x3F9B] =	sst s1;
	(tag) =	ssettag s2;
	_ =	strace s9  }
0x27: {  	s1 =	sld [smem:$0x3FAB]  }
0x28: {  	s2 =	sld [smem:$0x3FAC]  }
0x29: {  	s4 =	sld [smem:$0x3FAE]  }
0x2a: {  	p0 =	seq.s32 s5, $0x0;
	s5 =	sld [smem:$0x3FAF]  }
0x2b: {  	s6 =	sld [smem:$0x3FB0]  }
0x2c: {  	s7 =	sld [smem:$0x3FB1]  }
0x2d: {  	s3 =	simm.s32 $0x108;
	s8 =	sld [smem:$0x3FB2]  }
0x2e: {  	s3 =	simm.s32 @!p0 $0x1082;
	s9 =	sld [smem:$0x3FB3]  }
0x2f: {  	lr =	sadd.s32 s0, s3;
	s0 =	sld [smem:$0x3FAA]  }
0x30: {  	s3 =	sld [smem:$0x3FAD]  }
0x31: {  	[smem:$0x3FB6] =	sst s10  }
0x32: {  	s10 =	sld [smem:$0x3FB4];
	_ =	sdelay $0x3  }
0x33: {  	p0 =	seq.s32 s10, $0x1;
	s10 =	sld [smem:$0x3FB6];
	_ =	sdelay $0x3  }
0x34: {  	[smem:$0x3FB6] =	sst s10  }
0x35: {  	s10 =	sld [smem:$0x3FB5];
	_ =	sdelay $0x3  }
0x36: {  	p1 =	seq.s32 s10, $0x1;
	s10 =	sld [smem:$0x3FB6];
	_ =	sdelay $0x3  }
0x37: {  	[smem:$0x3FB6] =	sst s10  }
0x38: {  	s10 =	sld [smem:$0x3FB7]  }
0x39: {  	_ = 	snop;
	(pc) =	sbr.ind lr, $3  }
0x3a: {  	_ = 	snop  }
0x3b: {  	_ = 	snop  }
0x3c: {  	p2 =	seq.s32 s10, $0x1;
	s10 =	sld [smem:$0x3FB6]  }
0x3d: {  	_ =	shalt  }
0x3e: {  	_ =	shalt  }
0x3f: {  	_ =	shalt  }
0x40: {  	_ =	shalt  }
0x41: {  	_ =	shalt  }
0x42: {  	_ =	shalt  }
0x43: {  	_ =	shalt  }
0x44: {  	_ =	shalt  }
0x45: {  	_ =	shalt  }
0x46: {  	_ =	shalt  }
0x47: {  	_ =	shalt  }
0x48: {  	_ =	shalt  }
0x49: {  	_ =	shalt  }
0x4a: {  	_ =	shalt  }
0x4b: {  	_ =	shalt  }
0x4c: {  	_ =	shalt  }
0x4d: {  	_ =	shalt  }
0x4e: {  	_ =	shalt  }
0x4f: {  	_ =	shalt  }
0x50: {  	_ =	shalt  }
0x51: {  	_ =	shalt  }
0x52: {  	_ =	shalt  }
0x53: {  	_ =	shalt  }
0x54: {  	_ =	shalt  }
0x55: {  	_ =	shalt  }
0x56: {  	_ =	shalt  }
0x57: {  	_ =	shalt  }
0x58: {  	_ =	shalt  }
0x59: {  	_ =	shalt  }
0x5a: {  	_ =	shalt  }
0x5b: {  	_ =	shalt  }
0x5c: {  	_ =	shalt  }
0x5d: {  	_ =	shalt  }
0x5e: {  	_ =	shalt  }
0x5f: {  	_ =	shalt  }
0x60: {  	_ =	shalt  }
0x61: {  	_ =	shalt  }
0x62: {  	_ =	shalt  }
0x63: {  	_ =	shalt  }
0x64: {  	_ =	shalt  }
0x65: {  	_ =	shalt  }
0x66: {  	_ =	shalt  }
0x67: {  	_ =	shalt  }
0x68: {  	_ =	shalt  }
0x69: {  	_ =	shalt  }
0x6a: {  	_ =	shalt  }
0x6b: {  	_ =	shalt  }
0x6c: {  	_ =	shalt  }
0x6d: {  	_ =	shalt  }
0x6e: {  	_ =	shalt  }
0x6f: {  	_ =	shalt  }
0x70: {  	_ =	shalt  }
0x71: {  	_ =	shalt  }
0x72: {  	_ =	shalt  }
0x73: {  	_ =	shalt  }
0x74: {  	_ =	shalt  }
0x75: {  	_ =	shalt  }
0x76: {  	_ =	shalt  }
0x77: {  	_ =	shalt  }
0x78: {  	_ =	shalt  }
0x79: {  	_ =	shalt  }
0x7a: {  	_ =	shalt  }
0x7b: {  	_ =	shalt  }
0x7c: {  	_ =	shalt  }
0x7d: {  	_ =	shalt  }
0x7e: {  	_ =	shalt  }
0x7f: {  	_ =	shalt  }
0x80: {  	_ =	shalt  }
0x81: {  	_ =	shalt  }
0x82: {  	_ =	shalt  }
0x83: {  	_ =	shalt  }
0x84: {  	_ =	shalt  }
0x85: {  	_ =	shalt  }
0x86: {  	_ =	shalt  }
0x87: {  	_ =	shalt  }
.Lfunc_end0:
.L_simem_size_0:
called_computation_lowered:
.L_overlay_start_0:
0x88: {  	s2 =	sld [smem:$0x3FD9]  }
0x89: {  	s3 =	sld [smem:$0x3FFE];
	_ =	sdelay $0x1  }
0x8a: {  	s1 =	srdreg.scid  }
0x8b: {  	s0 =	sand.u32 $0x1, s1  }
0x8c: {  	s14 =	sshll.u32 s0, $0xA;
	s2 =	sadd.s32 s3, s2  }
0x8d: {  	s2 =	sadd.s32 s2, s14  }
0x8e: {  	[smem:$0x3FC2] =	sst s2  }
0x8f: {  	_ = 	snop  }
0x90: {  	s2 =	sld [smem:$0x3FD0];
	_ =	sdelay $0x2  }
0x91: {  	s4 =	simm.s32 $0xA;
	s5 =	simm.s32 $0x10;
	s15 =	sld [smem:$0x3FC6]  }
0x92: {  	[smem:s5], [sflag:s4] =	dma.local [hbm:s2], $0x1  }
0x93: {  	_ =	swait.eq [sflag:s4], $0x1  }
0x94: {  	[sflag:s4] =	ssyncset.done $0x0  }
0x95: {  	[sflag:s4] =	ssyncadd.s32 $0xFFFFFFFF  }
0x96: {  	s16 =	sld [smem:$0x12];
	(tm) =	ssettm $0x1  }
0x97: {  	s17 =	sld [smem:$0x3FFB];
	_ =	sdelay $0x3  }
0x98: {  	_ =	strace s17  }
0x99: {  	s4 =	sld [smem:$0x3FFC];
	_ =	sdelay $0x3  }
0x9a: {  	_ =	strace s4  }
0x9b: {  	s4 =	sld [smem:$0x3FFD];
	_ =	sdelay $0x3  }
0x9c: {  	_ =	strace s4  }
0x9d: {  	_ =	strace $0x8FFFFFFF  }
0x9e: {  	s18 =	sld [smem:$0x3FDB];
	_ =	sdelay $0x1  }
0x9f: {  	s19 =	simm.s32 $_scs_section_size  }
0xa0: {  	s6 =	simm.s32 $_size__tile_overlayer_lowered;
	s7 =	simm.s32 $_tile_overlayer_lowered  }
0xa1: {  	s22 =	simm.s32 $0x1BFF;
	s21 =	sshll.u32 s7, $0x1;
	s4 =	sadd.s32 s19, s18  }
0xa2: {  	s8 =	simm.s32 $0x0;
	s20 =	sshll.u32 s6, $0x1;
	s6 =	sadd.s32 s21, s4  }
0xa3: {  	[timem:s8], [sflag:s22] =	dma.local [hbm:s6], s20  }
0xa4: {  	_ =	swait.ge [sflag:s22], s20  }
0xa5: {  	s5 =	ssub.s32 $0x0, s20;
	[sflag:s22] =	ssyncset.done $0x0  }
0xa6: {  	[sflag:s22] =	ssyncadd.s32 s5;
	_ =	sdelay $0x1  }
0xa7: {  	s23 =	simm.s32 $0x1B8B  }
0xa8: {  	_ =	swait.ge [sflag:s23], $0x1  }
0xa9: {  	[sflag:s23] =	ssyncset.done $0x0  }
0xaa: {  	s25 =	simm.s32 $0x1B8E;
	s24 =	sld [smem:$0x3FFE];
	[sflag:s23] =	ssyncadd.s32 $0xFFFFFFFF  }
0xab: {  	s26 =	simm.s32 $execute0_lowered;
	[smem:$0x3FD2] =	sst s25  }
0xac: {  	s6 =	sshll.u32 s26, $0x1;
	_ =	strace $0x80000046;
	[dreg:$0x1] =	wrdreg $0xFFFFFFFF  }
0xad: {  	s28 =	simm.s32 $_size_execute0_lowered;
	s4 =	sadd.s32 s4, s6;
	[dreg:$0x0] =	wrdreg $0x0  }
0xae: {  	s6 =	sshll.u32 s28, $0x1;
	[dreg:$0x2] =	wrdreg s4  }
0xaf: {  	[dreg:$0x3] =	wrdreg s6  }
0xb0: {  	[dreg:$0x4] =	wrdreg $0xC0  }
0xb1: {  	_ =	task [dreg:s8], $0x5FFFF  }
0xb2: {  	[dreg:$0x1] =	wrdreg $0xFFFFFFFF  }
0xb3: {  	[dreg:$0x0] =	wrdreg $0x60  }
0xb4: {  	[dreg:$0x2] =	wrdreg s24  }
0xb5: {  	[dreg:$0x3] =	wrdreg s15  }
0xb6: {  	[dreg:$0x4] =	wrdreg s16  }
0xb7: {  	[dreg:$0x5] =	wrdreg $0x9  }
0xb8: {  	_ =	task.clear_ibuf [dreg:s8], $0x6FFFF;
	_ =	strace $0x90000046  }
0xb9: {  	s29 =	simm.s32 $0x9;
	_ =	strace $0x80000048  }
0xba: {  	_ =	swait.ge [sflag:s29], $0x1  }
0xbb: {  	[sflag:s29] =	ssyncadd.s32 $0xFFFFFFFF  }
0xbc: {  	_ =	strace $0x90000048  }
0xbd: {  	_ =	sfence  }
0xbe: {  	s30 =	sld [smem:$0x0];
	_ =	sdelay $0x2  }
0xbf: {  	s31 =	sshll.u32 s1, $0xD;
	s1 =	sshrl.u32 s1, $0x2  }
0xc0: {  	s3 =	sand.u32 $0x4000, s31;
	s1 =	sadd.s32 s1, s30  }
0xc1: {  	s0 =	sor.u32 s3, s0;
	s1 =	sshll.u32 s1, $0x11  }
0xc2: {  	s0 =	sor.u32 s1, s0  }
0xc3: {  	s0 =	sadd.s32 $0x8F2B, s0  }
0xc4: {  	[sflag:s0] =	ssyncadd.remote.s32 $0x1  }
0xc5: {  	_ =	sfence.sel $0xFFFF  }
0xc6: {  	[dreg:$0x0] =	wrdreg $0xFFFFFFFF;
	(pc) =	sbr.abs _section_cstart, $3  }
0xc7: {  	[dreg:$0x1] =	wrdreg $0xFFFFFFFF  }
0xc8: {  	_ =	task.clear_ibuf [dreg:s8], $0x2FFFF;
	_ =	strace $0x9FFFFFFF  }
0xc9: {  	(tm) =	ssettm $0x7FFFFFFF  }
tec
execute0_lowered:
.L_overlay_start_1:
0x0: {  	(tag) =	ssettag $0x1  }
0x1: {  	s6 =	rddreg [dreg:$0x0]  }
0x2: {  	s1 =	rddreg [dreg:$0x1]  }
0x3: {  	s3 =	rddreg [dreg:$0x2]  }
0x4: {  	s0 =	rddreg [dreg:$0x3];
	s5 =	srdreg.scid  }
0x5: {  	s4 =	simm.s32 $0x0;
	s2 =	stileid.u32;
	s11 =	simm.s32 $0x3  }
0x6: {  	s12 =	simm.s32 $0x8000;
	s13 =	simm.s32 $0x1;
	s14 =	simm.s32 $0x80  }
0x7: {  	s15 =	simm.s32 $0x400;
	s16 =	simm.s32 $0x4000;
	s17 =	simm.s32 $0x2  }
0x8: {  	s18 =	simm.s32 $0x0;
	s7 =	sand.u32 $0x1, s5;
	[smem:$0x7FF] =	sst s4  }
0x9: {  	s31 =	sshll.u32 s2, $0x6;
	s8 =	sshll.u32 s7, $0x5;
	s7 =	ssub.s32 $0x2, s7  }
0xa: {  	_ =	strace $0x80000047;
	s5 =	sor.u32 s8, s31;
	s9 =	sshrl.u32 s7, $0x1  }
0xb: {  	s8 =	sshll.u32 s5, $0x7;
	s10 =	sshll.u32 s5, $0xB;
	s9 =	ssub.s32 s7, s9  }
0xc: {  	v1 =	vlaneseq.u32;
	s8 =	sadd.s32 s8, s6;
	s6 =	sadd.s32 s3, s10;
	s9 =	smax.u32 s9, $0x1  }
0xd: {  	v0 =	vimm.f32 $0.0e+00;
	v1 =	vmul.u32 $0x10, v1;
	s10 =	simm.s32 $0x10000;
	s7 =	sadd.s32 $0x1600, s8;
	s8 =	sadd.s32 $0x10, s6  }
.LBB2_1:
0xe: {  	[tilespmem:s10], [sflag:$0x3] =	stream.linear.gather [hbm4b:s1+s4], $0x80, $0x38;
	[tilespmem:$0x10080] =	vst v63  }
0xf: {  	_ =	swait.ge [sflag:s11], $0x80  }
0x10: {  	[sflag:s11] =	ssyncset.done $0x0  }
0x11: {  	s19 =	simm.s32 $0x40;
	s20 =	simm.s32 $0x0;
	[sflag:s11] =	ssyncadd.s32 $0xFFFFFF80  }
0x12: {  	[tilespmem:s12], [sflag:$0x1] =	stream.linear.gather [hbm4b:s7+s4], $0x8000, $0x38;
	[tilespmem:$0x10080] =	vst v63  }
.LBB2_2:
0x13: {  	p0 =	sne.s32 s19, $0xFFC0;
	[tilespmem:s20+$0x0] =	vst v0;
	s21 =	smov.u32 s19;
	s19 =	sadd.s32 $0x40, s19  }
.Ltmp0:
0x14: {  	[tilespmem:s20+$0x4000] =	vst v0;
	(pc) =	sbr.rel @p0 .LBB2_2-.Ltmp0, $2  }
0x15: {  	_ =	sdelay $0x2  }
0x16: {  	s20 =	sshra.s32 s21, $0x2  }
0x17: {  	[tilespmem:s20+$0x0] =	vst v0  }
0x18: {  	[tilespmem:s20+$0x4000] =	vst v0  }
0x19: {  	_ =	swait.ge [sflag:s13], $0x8000  }
0x1a: {  	[sflag:s13] =	ssyncset.done $0x0  }
0x1b: {  	s19 =	simm.s32 $0x8040;
	[sflag:s13] =	ssyncadd.s32 $0xFFFF8000  }
0x1c: {  	v3 =	vld [tilespmem:s19+$0xFFFFFFC0];
	_ =	sdelay $0x1  }
0x1d: {  	v2 =	vld [tilespmem:$0x10000]  }
0x1e: {  	s20 =	simm.s32 $0x0  }
0x1f: {  	v4 =	vor.u32 s20, v1  }
0x20: {  	v3 =	vcvt.s32.f32 v3;
	_ =	sdelay $0x1  }
0x21: {  	v5 =	vmul.f32 v3, v2;
	_ =	sdelay $0x1  }
0x22: {  	v3 =	vld [tilespmem:$0x10010];
	[tilespmem:v4+s4+$0x0] =	vst.idx.msk $0xffff, v5  }
0x23: {  	v4 =	vld [tilespmem:s19+$0xFFFFFFD0];
	_ =	sdelay $0x2  }
0x24: {  	s21 =	simm.s32 $0x100  }
0x25: {  	v5 =	vor.u32 s21, v1  }
0x26: {  	v4 =	vcvt.s32.f32 v4;
	_ =	sdelay $0x1  }
0x27: {  	v4 =	vmul.f32 v4, v3;
	_ =	sdelay $0x1  }
0x28: {  	[tilespmem:v5+s4+$0x0] =	vst.idx.msk $0xffff, v4  }
0x29: {  	v4 =	vld [tilespmem:s19+$0xFFFFFFE0];
	_ =	sdelay $0x2  }
0x2a: {  	s26 =	simm.s32 $0x200  }
0x2b: {  	v5 =	vor.u32 s26, v1  }
0x2c: {  	v4 =	vcvt.s32.f32 v4;
	_ =	sdelay $0x1  }
0x2d: {  	v4 =	vmul.f32 v4, v2;
	_ =	sdelay $0x1  }
0x2e: {  	[tilespmem:v5+s4+$0x0] =	vst.idx.msk $0xffff, v4  }
0x2f: {  	v4 =	vld [tilespmem:s19+$0xFFFFFFF0];
	_ =	sdelay $0x2  }
0x30: {  	s28 =	simm.s32 $0x300  }
0x31: {  	v5 =	vor.u32 s28, v1  }
0x32: {  	v4 =	vcvt.s32.f32 v4;
	_ =	sdelay $0x1  }
0x33: {  	v4 =	vmul.f32 v4, v3;
	_ =	sdelay $0x1  }
0x34: {  	[tilespmem:v5+s4+$0x0] =	vst.idx.msk $0xffff, v4  }
0x35: {  	v4 =	vld [tilespmem:s19+$0x0];
	_ =	sdelay $0x2  }
0x36: {  	s29 =	simm.s32 $0x400  }
0x37: {  	v5 =	vor.u32 s29, v1  }
0x38: {  	v4 =	vcvt.s32.f32 v4;
	_ =	sdelay $0x1  }
0x39: {  	v4 =	vmul.f32 v4, v2;
	_ =	sdelay $0x1  }
0x3a: {  	[tilespmem:v5+s4+$0x0] =	vst.idx.msk $0xffff, v4  }
0x3b: {  	v4 =	vld [tilespmem:s19+$0x10];
	_ =	sdelay $0x2  }
0x3c: {  	s30 =	simm.s32 $0x500  }
0x3d: {  	v5 =	vor.u32 s30, v1  }
0x3e: {  	v4 =	vcvt.s32.f32 v4;
	_ =	sdelay $0x1  }
0x3f: {  	v4 =	vmul.f32 v4, v3;
	_ =	sdelay $0x1  }
0x40: {  	[tilespmem:v5+s4+$0x0] =	vst.idx.msk $0xffff, v4  }
0x41: {  	v4 =	vld [tilespmem:s19+$0x20];
	_ =	sdelay $0x2  }
0x42: {  	s31 =	simm.s32 $0x600  }
0x43: {  	v5 =	vor.u32 s31, v1  }
0x44: {  	v4 =	vcvt.s32.f32 v4;
	_ =	sdelay $0x1  }
0x45: {  	v4 =	vmul.f32 v4, v2;
	_ =	sdelay $0x1  }
0x46: {  	[tilespmem:v5+s4+$0x0] =	vst.idx.msk $0xffff, v4  }
0x47: {  	v4 =	vld [tilespmem:s19+$0x30];
	_ =	sdelay $0x3  }
0x48: {  	s22 =	simm.s32 $0x700  }
0x49: {  	v5 =	vcvt.s32.f32 v4;
	v4 =	vor.u32 s22, v1;
	_ =	sdelay $0x2  }
0x4a: {  	s21 =	simm.s32 $0x0;
	v5 =	vmul.f32 v5, v3  }
.LBB2_4:
0x4b: {  	_ = 	snop  }
0x4c: {  	s21 =	sadd.s32 $0x4, s21;
	s20 =	sadd.s32 $0x800, s20;
	s19 =	sadd.s32 $0x400, s19;
	[tilespmem:v4+s4+$0x0] =	vst.idx.msk $0xffff, v5  }
0x4d: {  	p0 =	slt.u32 s21, $0x1C;
	v4 =	vld [tilespmem:s19+$0xFFFFFFC0];
	_ =	sdelay $0x3  }
0x4e: {  	v5 =	vor.u32 s20, v1  }
0x4f: {  	v4 =	vcvt.s32.f32 v4;
	_ =	sdelay $0x1  }
0x50: {  	v4 =	vmul.f32 v4, v2;
	_ =	sdelay $0x1  }
0x51: {  	[tilespmem:v5+s4+$0x0] =	vst.idx.msk $0xffff, v4  }
0x52: {  	v4 =	vld [tilespmem:s19+$0xFFFFFFD0];
	_ =	sdelay $0x2  }
0x53: {  	s22 =	sadd.s32 $0x100, s20  }
0x54: {  	v5 =	vor.u32 s22, v1  }
0x55: {  	v4 =	vcvt.s32.f32 v4;
	_ =	sdelay $0x1  }
0x56: {  	v4 =	vmul.f32 v4, v3;
	_ =	sdelay $0x1  }
0x57: {  	[tilespmem:v5+s4+$0x0] =	vst.idx.msk $0xffff, v4  }
0x58: {  	v4 =	vld [tilespmem:s19+$0xFFFFFFE0];
	_ =	sdelay $0x2  }
0x59: {  	s22 =	sadd.s32 $0x200, s20  }
0x5a: {  	v5 =	vor.u32 s22, v1  }
0x5b: {  	v4 =	vcvt.s32.f32 v4;
	_ =	sdelay $0x1  }
0x5c: {  	v4 =	vmul.f32 v4, v2;
	_ =	sdelay $0x1  }
0x5d: {  	[tilespmem:v5+s4+$0x0] =	vst.idx.msk $0xffff, v4  }
0x5e: {  	v4 =	vld [tilespmem:s19+$0xFFFFFFF0];
	_ =	sdelay $0x2  }
0x5f: {  	s22 =	sadd.s32 $0x300, s20  }
0x60: {  	v5 =	vor.u32 s22, v1  }
0x61: {  	v4 =	vcvt.s32.f32 v4;
	_ =	sdelay $0x1  }
0x62: {  	v4 =	vmul.f32 v4, v3;
	_ =	sdelay $0x1  }
0x63: {  	[tilespmem:v5+s4+$0x0] =	vst.idx.msk $0xffff, v4  }
0x64: {  	v4 =	vld [tilespmem:s19+$0x0];
	_ =	sdelay $0x2  }
0x65: {  	s22 =	sadd.s32 $0x400, s20  }
0x66: {  	v5 =	vor.u32 s22, v1  }
0x67: {  	v4 =	vcvt.s32.f32 v4;
	_ =	sdelay $0x1  }
0x68: {  	v4 =	vmul.f32 v4, v2;
	_ =	sdelay $0x1  }
0x69: {  	[tilespmem:v5+s4+$0x0] =	vst.idx.msk $0xffff, v4  }
0x6a: {  	v4 =	vld [tilespmem:s19+$0x10];
	_ =	sdelay $0x2  }
0x6b: {  	s22 =	sadd.s32 $0x500, s20  }
0x6c: {  	v5 =	vor.u32 s22, v1  }
0x6d: {  	v4 =	vcvt.s32.f32 v4;
	_ =	sdelay $0x1  }
0x6e: {  	v4 =	vmul.f32 v4, v3;
	_ =	sdelay $0x1  }
0x6f: {  	[tilespmem:v5+s4+$0x0] =	vst.idx.msk $0xffff, v4  }
0x70: {  	v4 =	vld [tilespmem:s19+$0x20];
	_ =	sdelay $0x2  }
0x71: {  	s22 =	sadd.s32 $0x600, s20  }
0x72: {  	v5 =	vor.u32 s22, v1  }
0x73: {  	v4 =	vcvt.s32.f32 v4;
	_ =	sdelay $0x1  }
0x74: {  	v4 =	vmul.f32 v4, v2;
	_ =	sdelay $0x1  }
0x75: {  	[tilespmem:v5+s4+$0x0] =	vst.idx.msk $0xffff, v4  }
0x76: {  	v5 =	vld [tilespmem:s19+$0x30];
	_ =	sdelay $0x2  }
.Ltmp1:
0x77: {  	s22 =	sadd.s32 $0x700, s20;
	(pc) =	sbr.rel @p0 .LBB2_4-.Ltmp1, $3  }
0x78: {  	v4 =	vor.u32 s22, v1  }
0x79: {  	v5 =	vcvt.s32.f32 v5;
	_ =	sdelay $0x1  }
0x7a: {  	v5 =	vmul.f32 v5, v3  }
0x7b: {  	_ =	sdelay $0x3  }
0x7c: {  	s19 =	simm.s32 $0x0;
	s20 =	simm.s32 $0x80F0;
	[tilespmem:v4+s4+$0x0] =	vst.idx.msk $0xffff, v5  }
0x7d: {  	[hbm4b:s6+s14] =	stream.strided.scatter [tilespmem:s19], [sflag:$0x1], $0x4000, s15, s14, $0x38;
	[tilespmem:$0x10080] =	vst v63  }
0x7e: {  	v4 =	vld [tilespmem:s20+$0xFFFFFF90];
	_ =	sdelay $0x3  }
0x7f: {  	v5 =	vor.u32 s19, v1  }
0x80: {  	v4 =	vcvt.s32.f32 v4;
	_ =	sdelay $0x1  }
0x81: {  	v4 =	vmul.f32 v4, v2;
	_ =	sdelay $0x1  }
0x82: {  	[tilespmem:v5+s16+$0x0] =	vst.idx.msk $0xffff, v4  }
0x83: {  	v4 =	vld [tilespmem:s20+$0xFFFFFFA0];
	_ =	sdelay $0x2  }
0x84: {  	s21 =	simm.s32 $0x100  }
0x85: {  	v5 =	vor.u32 s21, v1  }
0x86: {  	v4 =	vcvt.s32.f32 v4;
	_ =	sdelay $0x1  }
0x87: {  	v4 =	vmul.f32 v4, v3;
	_ =	sdelay $0x1  }
0x88: {  	[tilespmem:v5+s16+$0x0] =	vst.idx.msk $0xffff, v4  }
0x89: {  	v4 =	vld [tilespmem:s20+$0xFFFFFFB0];
	_ =	sdelay $0x2  }
0x8a: {  	s26 =	simm.s32 $0x200  }
0x8b: {  	v5 =	vor.u32 s26, v1  }
0x8c: {  	v4 =	vcvt.s32.f32 v4;
	_ =	sdelay $0x1  }
0x8d: {  	v4 =	vmul.f32 v4, v2;
	_ =	sdelay $0x1  }
0x8e: {  	[tilespmem:v5+s16+$0x0] =	vst.idx.msk $0xffff, v4  }
0x8f: {  	v4 =	vld [tilespmem:s20+$0xFFFFFFC0];
	_ =	sdelay $0x2  }
0x90: {  	s28 =	simm.s32 $0x300  }
0x91: {  	v5 =	vor.u32 s28, v1  }
0x92: {  	v4 =	vcvt.s32.f32 v4;
	_ =	sdelay $0x1  }
0x93: {  	v4 =	vmul.f32 v4, v3;
	_ =	sdelay $0x1  }
0x94: {  	[tilespmem:v5+s16+$0x0] =	vst.idx.msk $0xffff, v4  }
0x95: {  	v4 =	vld [tilespmem:s20+$0xFFFFFFD0];
	_ =	sdelay $0x2  }
0x96: {  	s29 =	simm.s32 $0x400  }
0x97: {  	v5 =	vor.u32 s29, v1  }
0x98: {  	v4 =	vcvt.s32.f32 v4;
	_ =	sdelay $0x1  }
0x99: {  	v4 =	vmul.f32 v4, v2;
	_ =	sdelay $0x1  }
0x9a: {  	[tilespmem:v5+s16+$0x0] =	vst.idx.msk $0xffff, v4  }
0x9b: {  	v4 =	vld [tilespmem:s20+$0xFFFFFFE0];
	_ =	sdelay $0x2  }
0x9c: {  	s30 =	simm.s32 $0x500  }
0x9d: {  	v5 =	vor.u32 s30, v1  }
0x9e: {  	v4 =	vcvt.s32.f32 v4;
	_ =	sdelay $0x1  }
0x9f: {  	v4 =	vmul.f32 v4, v3;
	_ =	sdelay $0x1  }
0xa0: {  	[tilespmem:v5+s16+$0x0] =	vst.idx.msk $0xffff, v4  }
0xa1: {  	v4 =	vld [tilespmem:s20+$0xFFFFFFF0];
	_ =	sdelay $0x2  }
0xa2: {  	s31 =	simm.s32 $0x600  }
0xa3: {  	v5 =	vor.u32 s31, v1  }
0xa4: {  	v4 =	vcvt.s32.f32 v4;
	_ =	sdelay $0x1  }
0xa5: {  	v4 =	vmul.f32 v4, v2;
	_ =	sdelay $0x1  }
0xa6: {  	[tilespmem:v5+s16+$0x0] =	vst.idx.msk $0xffff, v4  }
0xa7: {  	v4 =	vld [tilespmem:s20+$0x0];
	_ =	sdelay $0x3  }
0xa8: {  	s22 =	simm.s32 $0x700  }
0xa9: {  	v5 =	vcvt.s32.f32 v4;
	v4 =	vor.u32 s22, v1;
	_ =	sdelay $0x2  }
0xaa: {  	s21 =	simm.s32 $0x0;
	v5 =	vmul.f32 v5, v3  }
.LBB2_6:
0xab: {  	_ = 	snop  }
0xac: {  	s21 =	sadd.s32 $0x4, s21;
	s19 =	sadd.s32 $0x800, s19;
	s20 =	sadd.s32 $0x400, s20;
	[tilespmem:v4+s16+$0x0] =	vst.idx.msk $0xffff, v5  }
0xad: {  	p0 =	slt.u32 s21, $0x1C;
	v4 =	vld [tilespmem:s20+$0xFFFFFF90];
	_ =	sdelay $0x3  }
0xae: {  	v5 =	vor.u32 s19, v1  }
0xaf: {  	v4 =	vcvt.s32.f32 v4;
	_ =	sdelay $0x1  }
0xb0: {  	v4 =	vmul.f32 v4, v2;
	_ =	sdelay $0x1  }
0xb1: {  	[tilespmem:v5+s16+$0x0] =	vst.idx.msk $0xffff, v4  }
0xb2: {  	v4 =	vld [tilespmem:s20+$0xFFFFFFA0];
	_ =	sdelay $0x2  }
0xb3: {  	s22 =	sadd.s32 $0x100, s19  }
0xb4: {  	v5 =	vor.u32 s22, v1  }
0xb5: {  	v4 =	vcvt.s32.f32 v4;
	_ =	sdelay $0x1  }
0xb6: {  	v4 =	vmul.f32 v4, v3;
	_ =	sdelay $0x1  }
0xb7: {  	[tilespmem:v5+s16+$0x0] =	vst.idx.msk $0xffff, v4  }
0xb8: {  	v4 =	vld [tilespmem:s20+$0xFFFFFFB0];
	_ =	sdelay $0x2  }
0xb9: {  	s22 =	sadd.s32 $0x200, s19  }
0xba: {  	v5 =	vor.u32 s22, v1  }
0xbb: {  	v4 =	vcvt.s32.f32 v4;
	_ =	sdelay $0x1  }
0xbc: {  	v4 =	vmul.f32 v4, v2;
	_ =	sdelay $0x1  }
0xbd: {  	[tilespmem:v5+s16+$0x0] =	vst.idx.msk $0xffff, v4  }
0xbe: {  	v4 =	vld [tilespmem:s20+$0xFFFFFFC0];
	_ =	sdelay $0x2  }
0xbf: {  	s22 =	sadd.s32 $0x300, s19  }
0xc0: {  	v5 =	vor.u32 s22, v1  }
0xc1: {  	v4 =	vcvt.s32.f32 v4;
	_ =	sdelay $0x1  }
0xc2: {  	v4 =	vmul.f32 v4, v3;
	_ =	sdelay $0x1  }
0xc3: {  	[tilespmem:v5+s16+$0x0] =	vst.idx.msk $0xffff, v4  }
0xc4: {  	v4 =	vld [tilespmem:s20+$0xFFFFFFD0];
	_ =	sdelay $0x2  }
0xc5: {  	s22 =	sadd.s32 $0x400, s19  }
0xc6: {  	v5 =	vor.u32 s22, v1  }
0xc7: {  	v4 =	vcvt.s32.f32 v4;
	_ =	sdelay $0x1  }
0xc8: {  	v4 =	vmul.f32 v4, v2;
	_ =	sdelay $0x1  }
0xc9: {  	[tilespmem:v5+s16+$0x0] =	vst.idx.msk $0xffff, v4  }
0xca: {  	v4 =	vld [tilespmem:s20+$0xFFFFFFE0];
	_ =	sdelay $0x2  }
0xcb: {  	s22 =	sadd.s32 $0x500, s19  }
0xcc: {  	v5 =	vor.u32 s22, v1  }
0xcd: {  	v4 =	vcvt.s32.f32 v4;
	_ =	sdelay $0x1  }
0xce: {  	v4 =	vmul.f32 v4, v3;
	_ =	sdelay $0x1  }
0xcf: {  	[tilespmem:v5+s16+$0x0] =	vst.idx.msk $0xffff, v4  }
0xd0: {  	v4 =	vld [tilespmem:s20+$0xFFFFFFF0];
	_ =	sdelay $0x2  }
0xd1: {  	s22 =	sadd.s32 $0x600, s19  }
0xd2: {  	v5 =	vor.u32 s22, v1  }
0xd3: {  	v4 =	vcvt.s32.f32 v4;
	_ =	sdelay $0x1  }
0xd4: {  	v4 =	vmul.f32 v4, v2;
	_ =	sdelay $0x1  }
0xd5: {  	[tilespmem:v5+s16+$0x0] =	vst.idx.msk $0xffff, v4  }
0xd6: {  	v5 =	vld [tilespmem:s20+$0x0];
	_ =	sdelay $0x2  }
.Ltmp2:
0xd7: {  	s22 =	sadd.s32 $0x700, s19;
	(pc) =	sbr.rel @p0 .LBB2_6-.Ltmp2, $3  }
0xd8: {  	v4 =	vor.u32 s22, v1  }
0xd9: {  	v5 =	vcvt.s32.f32 v5;
	_ =	sdelay $0x1  }
0xda: {  	v5 =	vmul.f32 v5, v3  }
0xdb: {  	_ =	sdelay $0x2  }
0xdc: {  	s19 =	simm.s32 $0x1  }
0xdd: {  	s20 =	simm.s32 $0x800;
	s21 =	simm.s32 $0x2;
	s22 =	simm.s32 $0x1;
	[tilespmem:v4+s16+$0x0] =	vst.idx.msk $0xffff, v5  }
0xde: {  	[hbm4b:s8+s14] =	stream.strided.scatter [tilespmem:s16], [sflag:$0x2], $0x4000, s15, s14, $0x38;
	[tilespmem:$0x10080] =	vst v63  }
.LBB2_8:
0xdf: {  	s23 =	sshll.u32 s20, $0x2;
	s24 =	sand.u32 $0x3, s19  }
0xe0: {  	s23 =	sand.u32 $0xFFFF8000, s23;
	s24 =	sshll.u32 s24, $0xA  }
0xe1: {  	_ =	swait.ge [sflag:s13], $0x4000;
	s24 =	sor.u32 s24, s23  }
0xe2: {  	[sflag:s13] =	ssyncset.done $0x0;
	s24 =	sshrl.u32 s24, $0x2  }
0xe3: {  	[sflag:s13] =	ssyncadd.s32 $0xFFFFC000;
	s26 =	sadd.s32 $0x8040, s24  }
0xe4: {  	v4 =	vld [tilespmem:s26+$0xFFFFFFC0];
	_ =	sdelay $0x2  }
0xe5: {  	s28 =	simm.s32 $0x0  }
0xe6: {  	v5 =	vor.u32 s28, v1  }
0xe7: {  	v4 =	vcvt.s32.f32 v4;
	_ =	sdelay $0x1  }
0xe8: {  	v4 =	vmul.f32 v4, v2;
	_ =	sdelay $0x1  }
0xe9: {  	[tilespmem:v5+s4+$0x0] =	vst.idx.msk $0xffff, v4  }
0xea: {  	v4 =	vld [tilespmem:s26+$0xFFFFFFD0];
	_ =	sdelay $0x2  }
0xeb: {  	s25 =	simm.s32 $0x100  }
0xec: {  	v5 =	vor.u32 s25, v1  }
0xed: {  	v4 =	vcvt.s32.f32 v4;
	_ =	sdelay $0x1  }
0xee: {  	v4 =	vmul.f32 v4, v3;
	_ =	sdelay $0x1  }
0xef: {  	[tilespmem:v5+s4+$0x0] =	vst.idx.msk $0xffff, v4  }
0xf0: {  	v4 =	vld [tilespmem:s26+$0xFFFFFFE0];
	_ =	sdelay $0x2  }
0xf1: {  	s31 =	simm.s32 $0x200  }
0xf2: {  	v5 =	vor.u32 s31, v1  }
0xf3: {  	v4 =	vcvt.s32.f32 v4;
	_ =	sdelay $0x1  }
0xf4: {  	v4 =	vmul.f32 v4, v2;
	_ =	sdelay $0x1  }
0xf5: {  	[tilespmem:v5+s4+$0x0] =	vst.idx.msk $0xffff, v4  }
0xf6: {  	v4 =	vld [tilespmem:s26+$0xFFFFFFF0];
	_ =	sdelay $0x2  }
0xf7: {  	s25 =	simm.s32 $0x300  }
0xf8: {  	v5 =	vor.u32 s25, v1  }
0xf9: {  	v4 =	vcvt.s32.f32 v4;
	_ =	sdelay $0x1  }
0xfa: {  	v4 =	vmul.f32 v4, v3;
	_ =	sdelay $0x1  }
0xfb: {  	[tilespmem:v5+s4+$0x0] =	vst.idx.msk $0xffff, v4  }
0xfc: {  	v4 =	vld [tilespmem:s26+$0x0];
	_ =	sdelay $0x2  }
0xfd: {  	s31 =	simm.s32 $0x400  }
0xfe: {  	v5 =	vor.u32 s31, v1  }
0xff: {  	v4 =	vcvt.s32.f32 v4;
	_ =	sdelay $0x1  }
0x100: {  	v4 =	vmul.f32 v4, v2;
	_ =	sdelay $0x1  }
0x101: {  	[tilespmem:v5+s4+$0x0] =	vst.idx.msk $0xffff, v4  }
0x102: {  	v4 =	vld [tilespmem:s26+$0x10];
	_ =	sdelay $0x2  }
0x103: {  	s25 =	simm.s32 $0x500  }
0x104: {  	v5 =	vor.u32 s25, v1  }
0x105: {  	v4 =	vcvt.s32.f32 v4;
	_ =	sdelay $0x1  }
0x106: {  	v4 =	vmul.f32 v4, v3;
	_ =	sdelay $0x1  }
0x107: {  	[tilespmem:v5+s4+$0x0] =	vst.idx.msk $0xffff, v4  }
0x108: {  	v4 =	vld [tilespmem:s26+$0x20];
	_ =	sdelay $0x2  }
0x109: {  	s31 =	simm.s32 $0x600  }
0x10a: {  	v5 =	vor.u32 s31, v1  }
0x10b: {  	v4 =	vcvt.s32.f32 v4;
	_ =	sdelay $0x1  }
0x10c: {  	v4 =	vmul.f32 v4, v2;
	_ =	sdelay $0x1  }
0x10d: {  	[tilespmem:v5+s4+$0x0] =	vst.idx.msk $0xffff, v4  }
0x10e: {  	v4 =	vld [tilespmem:s26+$0x30];
	_ =	sdelay $0x1  }
0x10f: {  	s24 =	sshll.u32 s22, $0x1;
	s25 =	sand.u32 $0x7, s21  }
0x110: {  	s25 =	sshll.u32 s25, $0x9;
	s31 =	sadd.s32 s5, s24  }
0x111: {  	s23 =	sor.u32 s25, s23;
	s25 =	sshll.u32 s31, $0xB;
	s31 =	simm.s32 $0x700  }
0x112: {  	s29 =	sshll.u32 s22, $0x5;
	v5 =	vcvt.s32.f32 v4;
	v4 =	vor.u32 s31, v1  }
0x113: {  	s29 =	sand.u32 $0x60, s29  }
0x114: {  	s29 =	sadd.s32 s3, s29;
	s23 =	sshrl.u32 s23, $0x2;
	s25 =	sand.u32 $0x1FC000, s25  }
0x115: {  	s30 =	simm.s32 $0x0;
	s23 =	sadd.s32 $0x80F0, s23;
	s29 =	sadd.s32 s25, s29;
	v5 =	vmul.f32 v5, v3  }
.LBB2_9:
0x116: {  	_ = 	snop  }
0x117: {  	s30 =	sadd.s32 $0x4, s30;
	s28 =	sadd.s32 $0x800, s28;
	s26 =	sadd.s32 $0x400, s26;
	[tilespmem:v4+s4+$0x0] =	vst.idx.msk $0xffff, v5  }
0x118: {  	p0 =	slt.u32 s30, $0x1C;
	v4 =	vld [tilespmem:s26+$0xFFFFFFC0];
	_ =	sdelay $0x3  }
0x119: {  	v5 =	vor.u32 s28, v1  }
0x11a: {  	v4 =	vcvt.s32.f32 v4;
	_ =	sdelay $0x1  }
0x11b: {  	v4 =	vmul.f32 v4, v2;
	_ =	sdelay $0x1  }
0x11c: {  	[tilespmem:v5+s4+$0x0] =	vst.idx.msk $0xffff, v4  }
0x11d: {  	v4 =	vld [tilespmem:s26+$0xFFFFFFD0];
	_ =	sdelay $0x2  }
0x11e: {  	s31 =	sadd.s32 $0x100, s28  }
0x11f: {  	v5 =	vor.u32 s31, v1  }
0x120: {  	v4 =	vcvt.s32.f32 v4;
	_ =	sdelay $0x1  }
0x121: {  	v4 =	vmul.f32 v4, v3;
	_ =	sdelay $0x1  }
0x122: {  	[tilespmem:v5+s4+$0x0] =	vst.idx.msk $0xffff, v4  }
0x123: {  	v4 =	vld [tilespmem:s26+$0xFFFFFFE0];
	_ =	sdelay $0x2  }
0x124: {  	s31 =	sadd.s32 $0x200, s28  }
0x125: {  	v5 =	vor.u32 s31, v1  }
0x126: {  	v4 =	vcvt.s32.f32 v4;
	_ =	sdelay $0x1  }
0x127: {  	v4 =	vmul.f32 v4, v2;
	_ =	sdelay $0x1  }
0x128: {  	[tilespmem:v5+s4+$0x0] =	vst.idx.msk $0xffff, v4  }
0x129: {  	v4 =	vld [tilespmem:s26+$0xFFFFFFF0];
	_ =	sdelay $0x2  }
0x12a: {  	s31 =	sadd.s32 $0x300, s28  }
0x12b: {  	v5 =	vor.u32 s31, v1  }
0x12c: {  	v4 =	vcvt.s32.f32 v4;
	_ =	sdelay $0x1  }
0x12d: {  	v4 =	vmul.f32 v4, v3;
	_ =	sdelay $0x1  }
0x12e: {  	[tilespmem:v5+s4+$0x0] =	vst.idx.msk $0xffff, v4  }
0x12f: {  	v4 =	vld [tilespmem:s26+$0x0];
	_ =	sdelay $0x2  }
0x130: {  	s31 =	sadd.s32 $0x400, s28  }
0x131: {  	v5 =	vor.u32 s31, v1  }
0x132: {  	v4 =	vcvt.s32.f32 v4;
	_ =	sdelay $0x1  }
0x133: {  	v4 =	vmul.f32 v4, v2;
	_ =	sdelay $0x1  }
0x134: {  	[tilespmem:v5+s4+$0x0] =	vst.idx.msk $0xffff, v4  }
0x135: {  	v4 =	vld [tilespmem:s26+$0x10];
	_ =	sdelay $0x2  }
0x136: {  	s31 =	sadd.s32 $0x500, s28  }
0x137: {  	v5 =	vor.u32 s31, v1  }
0x138: {  	v4 =	vcvt.s32.f32 v4;
	_ =	sdelay $0x1  }
0x139: {  	v4 =	vmul.f32 v4, v3;
	_ =	sdelay $0x1  }
0x13a: {  	[tilespmem:v5+s4+$0x0] =	vst.idx.msk $0xffff, v4  }
0x13b: {  	v4 =	vld [tilespmem:s26+$0x20];
	_ =	sdelay $0x2  }
0x13c: {  	s31 =	sadd.s32 $0x600, s28  }
0x13d: {  	v5 =	vor.u32 s31, v1  }
0x13e: {  	v4 =	vcvt.s32.f32 v4;
	_ =	sdelay $0x1  }
0x13f: {  	v4 =	vmul.f32 v4, v2;
	_ =	sdelay $0x1  }
0x140: {  	[tilespmem:v5+s4+$0x0] =	vst.idx.msk $0xffff, v4  }
0x141: {  	v5 =	vld [tilespmem:s26+$0x30];
	_ =	sdelay $0x2  }
.Ltmp3:
0x142: {  	s31 =	sadd.s32 $0x700, s28;
	(pc) =	sbr.rel @p0 .LBB2_9-.Ltmp3, $3  }
0x143: {  	v4 =	vor.u32 s31, v1  }
0x144: {  	v5 =	vcvt.s32.f32 v5;
	_ =	sdelay $0x1  }
0x145: {  	v5 =	vmul.f32 v5, v3  }
0x146: {  	_ =	sdelay $0x3  }
0x147: {  	s26 =	simm.s32 $0x0;
	[tilespmem:v4+s4+$0x0] =	vst.idx.msk $0xffff, v5  }
0x148: {  	[hbm4b:s29+s14] =	stream.strided.scatter [tilespmem:s26], [sflag:$0x1], $0x4000, s15, s14, $0x38;
	[tilespmem:$0x10080] =	vst v63  }
0x149: {  	_ =	swait.ge [sflag:s17], $0x4000  }
0x14a: {  	[sflag:s17] =	ssyncset.done $0x0  }
0x14b: {  	[sflag:s17] =	ssyncadd.s32 $0xFFFFC000  }
0x14c: {  	v4 =	vld [tilespmem:s23+$0xFFFFFF90];
	_ =	sdelay $0x3  }
0x14d: {  	v5 =	vor.u32 s26, v1  }
0x14e: {  	v4 =	vcvt.s32.f32 v4;
	_ =	sdelay $0x1  }
0x14f: {  	v4 =	vmul.f32 v4, v2;
	_ =	sdelay $0x1  }
0x150: {  	[tilespmem:v5+s16+$0x0] =	vst.idx.msk $0xffff, v4  }
0x151: {  	v4 =	vld [tilespmem:s23+$0xFFFFFFA0];
	_ =	sdelay $0x2  }
0x152: {  	s28 =	simm.s32 $0x100  }
0x153: {  	v5 =	vor.u32 s28, v1  }
0x154: {  	v4 =	vcvt.s32.f32 v4;
	_ =	sdelay $0x1  }
0x155: {  	v4 =	vmul.f32 v4, v3;
	_ =	sdelay $0x1  }
0x156: {  	[tilespmem:v5+s16+$0x0] =	vst.idx.msk $0xffff, v4  }
0x157: {  	v4 =	vld [tilespmem:s23+$0xFFFFFFB0];
	_ =	sdelay $0x2  }
0x158: {  	s29 =	simm.s32 $0x200  }
0x159: {  	v5 =	vor.u32 s29, v1  }
0x15a: {  	v4 =	vcvt.s32.f32 v4;
	_ =	sdelay $0x1  }
0x15b: {  	v4 =	vmul.f32 v4, v2;
	_ =	sdelay $0x1  }
0x15c: {  	[tilespmem:v5+s16+$0x0] =	vst.idx.msk $0xffff, v4  }
0x15d: {  	v4 =	vld [tilespmem:s23+$0xFFFFFFC0];
	_ =	sdelay $0x2  }
0x15e: {  	s30 =	simm.s32 $0x300  }
0x15f: {  	v5 =	vor.u32 s30, v1  }
0x160: {  	v4 =	vcvt.s32.f32 v4;
	_ =	sdelay $0x1  }
0x161: {  	v4 =	vmul.f32 v4, v3;
	_ =	sdelay $0x1  }
0x162: {  	[tilespmem:v5+s16+$0x0] =	vst.idx.msk $0xffff, v4  }
0x163: {  	v4 =	vld [tilespmem:s23+$0xFFFFFFD0];
	_ =	sdelay $0x2  }
0x164: {  	s31 =	simm.s32 $0x400  }
0x165: {  	v5 =	vor.u32 s31, v1  }
0x166: {  	v4 =	vcvt.s32.f32 v4;
	_ =	sdelay $0x1  }
0x167: {  	v4 =	vmul.f32 v4, v2;
	_ =	sdelay $0x1  }
0x168: {  	[tilespmem:v5+s16+$0x0] =	vst.idx.msk $0xffff, v4  }
0x169: {  	v4 =	vld [tilespmem:s23+$0xFFFFFFE0];
	_ =	sdelay $0x2  }
0x16a: {  	s29 =	simm.s32 $0x500  }
0x16b: {  	v5 =	vor.u32 s29, v1  }
0x16c: {  	v4 =	vcvt.s32.f32 v4;
	_ =	sdelay $0x1  }
0x16d: {  	v4 =	vmul.f32 v4, v3;
	_ =	sdelay $0x1  }
0x16e: {  	[tilespmem:v5+s16+$0x0] =	vst.idx.msk $0xffff, v4  }
0x16f: {  	v4 =	vld [tilespmem:s23+$0xFFFFFFF0];
	_ =	sdelay $0x2  }
0x170: {  	s30 =	simm.s32 $0x600  }
0x171: {  	v5 =	vor.u32 s30, v1  }
0x172: {  	v4 =	vcvt.s32.f32 v4;
	_ =	sdelay $0x1  }
0x173: {  	v4 =	vmul.f32 v4, v2;
	_ =	sdelay $0x1  }
0x174: {  	[tilespmem:v5+s16+$0x0] =	vst.idx.msk $0xffff, v4  }
0x175: {  	v4 =	vld [tilespmem:s23+$0x0];
	_ =	sdelay $0x3  }
0x176: {  	s24 =	sshll.u32 s24, $0x4;
	s31 =	simm.s32 $0x700  }
0x177: {  	s24 =	sor.u32 $0x10, s24;
	v5 =	vcvt.s32.f32 v4;
	v4 =	vor.u32 s31, v1  }
0x178: {  	s24 =	sand.u32 $0x70, s24  }
0x179: {  	s24 =	sadd.s32 s3, s24  }
0x17a: {  	s24 =	sadd.s32 s25, s24;
	s25 =	simm.s32 $0x0;
	v5 =	vmul.f32 v5, v3  }
.LBB2_11:
0x17b: {  	_ = 	snop  }
0x17c: {  	s25 =	sadd.s32 $0x4, s25;
	s26 =	sadd.s32 $0x800, s26;
	s23 =	sadd.s32 $0x400, s23;
	[tilespmem:v4+s16+$0x0] =	vst.idx.msk $0xffff, v5  }
0x17d: {  	p0 =	slt.u32 s25, $0x1C;
	v4 =	vld [tilespmem:s23+$0xFFFFFF90];
	_ =	sdelay $0x3  }
0x17e: {  	v5 =	vor.u32 s26, v1  }
0x17f: {  	v4 =	vcvt.s32.f32 v4;
	_ =	sdelay $0x1  }
0x180: {  	v4 =	vmul.f32 v4, v2;
	_ =	sdelay $0x1  }
0x181: {  	[tilespmem:v5+s16+$0x0] =	vst.idx.msk $0xffff, v4  }
0x182: {  	v4 =	vld [tilespmem:s23+$0xFFFFFFA0];
	_ =	sdelay $0x2  }
0x183: {  	s28 =	sadd.s32 $0x100, s26  }
0x184: {  	v5 =	vor.u32 s28, v1  }
0x185: {  	v4 =	vcvt.s32.f32 v4;
	_ =	sdelay $0x1  }
0x186: {  	v4 =	vmul.f32 v4, v3;
	_ =	sdelay $0x1  }
0x187: {  	[tilespmem:v5+s16+$0x0] =	vst.idx.msk $0xffff, v4  }
0x188: {  	v4 =	vld [tilespmem:s23+$0xFFFFFFB0];
	_ =	sdelay $0x2  }
0x189: {  	s28 =	sadd.s32 $0x200, s26  }
0x18a: {  	v5 =	vor.u32 s28, v1  }
0x18b: {  	v4 =	vcvt.s32.f32 v4;
	_ =	sdelay $0x1  }
0x18c: {  	v4 =	vmul.f32 v4, v2;
	_ =	sdelay $0x1  }
0x18d: {  	[tilespmem:v5+s16+$0x0] =	vst.idx.msk $0xffff, v4  }
0x18e: {  	v4 =	vld [tilespmem:s23+$0xFFFFFFC0];
	_ =	sdelay $0x2  }
0x18f: {  	s28 =	sadd.s32 $0x300, s26  }
0x190: {  	v5 =	vor.u32 s28, v1  }
0x191: {  	v4 =	vcvt.s32.f32 v4;
	_ =	sdelay $0x1  }
0x192: {  	v4 =	vmul.f32 v4, v3;
	_ =	sdelay $0x1  }
0x193: {  	[tilespmem:v5+s16+$0x0] =	vst.idx.msk $0xffff, v4  }
0x194: {  	v4 =	vld [tilespmem:s23+$0xFFFFFFD0];
	_ =	sdelay $0x2  }
0x195: {  	s28 =	sadd.s32 $0x400, s26  }
0x196: {  	v5 =	vor.u32 s28, v1  }
0x197: {  	v4 =	vcvt.s32.f32 v4;
	_ =	sdelay $0x1  }
0x198: {  	v4 =	vmul.f32 v4, v2;
	_ =	sdelay $0x1  }
0x199: {  	[tilespmem:v5+s16+$0x0] =	vst.idx.msk $0xffff, v4  }
0x19a: {  	v4 =	vld [tilespmem:s23+$0xFFFFFFE0];
	_ =	sdelay $0x2  }
0x19b: {  	s28 =	sadd.s32 $0x500, s26  }
0x19c: {  	v5 =	vor.u32 s28, v1  }
0x19d: {  	v4 =	vcvt.s32.f32 v4;
	_ =	sdelay $0x1  }
0x19e: {  	v4 =	vmul.f32 v4, v3;
	_ =	sdelay $0x1  }
0x19f: {  	[tilespmem:v5+s16+$0x0] =	vst.idx.msk $0xffff, v4  }
0x1a0: {  	v4 =	vld [tilespmem:s23+$0xFFFFFFF0];
	_ =	sdelay $0x2  }
0x1a1: {  	s28 =	sadd.s32 $0x600, s26  }
0x1a2: {  	v5 =	vor.u32 s28, v1  }
0x1a3: {  	v4 =	vcvt.s32.f32 v4;
	_ =	sdelay $0x1  }
0x1a4: {  	v4 =	vmul.f32 v4, v2;
	_ =	sdelay $0x1  }
0x1a5: {  	[tilespmem:v5+s16+$0x0] =	vst.idx.msk $0xffff, v4  }
0x1a6: {  	v5 =	vld [tilespmem:s23+$0x0];
	_ =	sdelay $0x2  }
.Ltmp4:
0x1a7: {  	s28 =	sadd.s32 $0x700, s26;
	(pc) =	sbr.rel @p0 .LBB2_11-.Ltmp4, $3  }
0x1a8: {  	v4 =	vor.u32 s28, v1  }
0x1a9: {  	v5 =	vcvt.s32.f32 v5;
	_ =	sdelay $0x1  }
0x1aa: {  	v5 =	vmul.f32 v5, v3  }
0x1ab: {  	s22 =	sadd.s32 $0x1, s22  }
0x1ac: {  	p0 =	sne.s32 s22, $0x10  }
.Ltmp5:
0x1ad: {  	_ = 	snop;
	(pc) =	sbr.rel @p0 .LBB2_8-.Ltmp5, $3  }
0x1ae: {  	_ =	sdelay $0x1  }
0x1af: {  	s20 =	sadd.s32 $0x800, s20;
	s19 =	sadd.s32 $0x1, s19;
	s21 =	sadd.s32 $0x2, s21;
	[tilespmem:v4+s16+$0x0] =	vst.idx.msk $0xffff, v5  }
0x1b0: {  	[hbm4b:s24+s14] =	stream.strided.scatter [tilespmem:s16], [sflag:$0x2], $0x4000, s15, s14, $0x38;
	[tilespmem:$0x10080] =	vst v63  }
0x1b1: {  	s18 =	sadd.s32 $0x1, s18  }
0x1b2: {  	_ =	swait.ge [sflag:s13], $0x4000;
	p0 =	sne.s32 s18, s9  }
.Ltmp6:
0x1b3: {  	[sflag:s13] =	ssyncset.done $0x0;
	(pc) =	sbr.rel @p0 .LBB2_1-.Ltmp6, $4  }
0x1b4: {  	[sflag:s13] =	ssyncadd.s32 $0xFFFFC000  }
0x1b5: {  	_ =	swait.ge [sflag:s17], $0x4000  }
0x1b6: {  	[sflag:s17] =	ssyncset.done $0x0  }
0x1b7: {  	[sflag:s17] =	ssyncadd.s32 $0xFFFFC000  }
0x1b8: {  	_ =	sfence.sel $0x180000  }
0x1b9: {  	[bflag:$0x0] =	sbarrier.arrive $0xFFFF  }
0x1ba: {  	p0 =	sne.s32 s2, $0x0;
	_ =	strace $0x90000047  }
0x1bb: {  	s0 =	sadd.s32 @!p0 $0x100000, s0;
	[bflag:$0x2] =	sbarrier.arrive $0xFFFF  }
0x1bc: {  	[sflag:s0] =	ssyncadd.tile.s32 @!p0 $0x1;
	_ =	shalt  }
.Lfunc_end2:
_tile_overlayer_lowered:
.L_overlay_start_2:
0x1bd: {  	(tag) =	ssettag $0x2  }
0x1be: {  	s0 =	rddreg [dreg:$0x0];
	s2 =	stileid.u32  }
0x1bf: {  	s1 =	rddreg [dreg:$0x1];
	p0 =	sne.s32 s2, $0x0  }
0x1c0: {  	s3 =	rddreg [dreg:$0x2];
	[bflag:$0x3] =	sbarrier.arrive $0xFFFF;
	s2 =	simm.s32 @!p0 $0x1C03  }
0x1c1: {  	[timem:s3], [sflag:s2] =	dma.local @!p0 [hbm:s0], s1  }
0x1c2: {  	s0 =	simm.s32 @!p0 $0x3  }
0x1c3: {  	_ =	swait.ge @!p0 [sflag:s0], s1  }
0x1c4: {  	s1 =	ssub.s32 @!p0 $0x0, s1;
	[sflag:s0] =	ssyncset.done @!p0 $0x0  }
0x1c5: {  	[sflag:s0] =	ssyncadd.s32 @!p0 s1  }
0x1c6: {  	[bflag:$0x3] =	sbarrier.arrive $0xFFFF  }
0x1c7: {  	_ =	shalt  }

</sc_bundles>
